<compile_context>
chip_gen: v7x
topology: tpu7x:2x2x1
jax: 0.10.2.dev20260603
libtpu: 0.0.44.dev20260713+nightly
codegen_flags: <defaults>
</compile_context>

<pallas_src>
import functools

import jax
import jax.numpy as jnp
from jax import lax
from jax.experimental import pallas as pl
from jax.experimental.pallas import tpu as pltpu
from jax.experimental.pallas import tpu_sc as plsc

DEPTH = 1000
N = 51200
NW = 32
COLS = N // NW
D_CH = 20
N_CH = DEPTH // D_CH
GROUPS = COLS // 16
CHUNK = D_CH * COLS

_mesh = plsc.VectorSubcoreMesh(core_axis_name="c", subcore_axis_name="s")


@functools.partial(
    pl.kernel,
    out_type=jax.ShapeDtypeStruct((NW * DEPTH * COLS,), jnp.float32),
    mesh=_mesh,
    scratch_types=[
        pltpu.VMEM((COLS,), jnp.int32),
        pltpu.VMEM((CHUNK,), jnp.float32),
    ],
    compiler_params=pltpu.CompilerParams(needs_layout_passes=False),
)
def _sc_one_hot(idx_hbm, out_hbm, idx_v, buf):
    wid = lax.axis_index("s") * 2 + lax.axis_index("c")
    base = wid * COLS
    pltpu.sync_copy(idx_hbm.at[pl.ds(base, COLS)], idx_v)

    zeros16 = jnp.zeros((16,), jnp.float32)
    ones16 = jnp.ones((16,), jnp.float32)

    def zero_grp(j, c2):
        buf[pl.ds(j * 16, 16)] = zeros16
        return c2

    lax.fori_loop(0, CHUNK // 16, zero_grp, 0)

    def chunk_body(i, carry):
        d0 = i * D_CH

        def grp_body(g, c2):
            idx16 = idx_v[pl.ds(g * 16, 16)]
            cols16 = lax.iota(jnp.int32, 16) + g * 16
            dvp = idx16 - (d0 - D_CH)
            mp = (dvp >= 0) & (dvp < D_CH)
            plsc.store_scatter(buf, [dvp * COLS + cols16], zeros16, mask=mp)
            dvn = idx16 - d0
            mn = (dvn >= 0) & (dvn < D_CH)
            plsc.store_scatter(buf, [dvn * COLS + cols16], ones16, mask=mn)
            return c2

        pltpu.sync_copy(buf, out_hbm.at[pl.ds(wid * (DEPTH * COLS) + d0 * COLS, CHUNK)])
        return carry

    lax.fori_loop(0, N_CH, chunk_body, 0)


def kernel(x):
    idx = jnp.reshape(x, (-1,)).astype(jnp.int32)
    out2 = _sc_one_hot(idx)
    out3 = jnp.reshape(out2, (NW, DEPTH, COLS))
    out_t = jnp.reshape(jnp.transpose(out3, (1, 0, 2)), (DEPTH, N))
    return jnp.reshape(jnp.transpose(out_t), (1, N, DEPTH))

# --- scband reference (transcript-rebuilt; emitter-appended) ---
"""Pipeline reference for scband-one-hot-43989055045708 (READ-ONLY COPY).

The authoritative reference and input builder live on the scoring server;
editing this copy changes nothing except your own understanding.
"""

import jax, jax.numpy as jnp
import numpy as np

DEPTH = 1000

def setup_inputs(seed: int = 0) -> dict:
    key = jax.random.key(seed)
    # Keras Input default dtype is float32; the layer casts to int32 internally.
    x = jax.random.randint(key, (1024, 50), 0, DEPTH).astype(jnp.float32)
    return {"x": x}

def reference(x):
    # Faithful translation of OneHot.call:
    #   x = tf.reshape(x, [-1])
    #   one_hot = tf.one_hot(tf.cast(x, tf.int32), depth)
    #   return tf.reshape(one_hot, [-1, tf.shape(x)[-1], depth])
    # Note: since x is flattened first, tf.shape(x)[-1] is the TOTAL number of
    # elements, so the output shape is [1, B*L, depth]. We preserve this quirk.
    x_flat = jnp.reshape(x, [-1])
    idx = x_flat.astype(jnp.int32)
    oh = jax.nn.one_hot(idx, DEPTH, dtype=jnp.float32)
    return jnp.reshape(oh, (-1, x_flat.shape[-1], DEPTH))

if __name__ == "__main__":
    import jax
    _d = setup_inputs()
    print(jax.jit(kernel)(*tuple(_d.values())))

</pallas_src>

<mosaic_0001>
#map = affine_map<(d0, d1) -> (0)>
module attributes {stable_mosaic.version = 14 : i64} {
  func.func @_sc_one_hot(%arg0: i32, %arg1: i32, %arg2: memref<51200xi32, #tpu.memory_space<hbm>>, %arg3: memref<51200000xf32, #tpu.memory_space<hbm>>, %arg4: memref<1600xi32, #tpu.memory_space<vmem>>, %arg5: memref<32000xf32, #tpu.memory_space<vmem>>) attributes {dimension_semantics = [#tpu.dimension_semantics<core_parallel>, #tpu.dimension_semantics<subcore_parallel>], iteration_bounds = array<i64: 2, 16>, scalar_prefetch = 0 : i64, scratch_operands = 2 : i64, tpu.core_type = #tpu.core_type<sc_vector_subcore>, window_params = [{transform_indices = #map}, {transform_indices = #map}]} {
    %mul3A = arith.constant 2 : i32
    %mul3A_0 = arith.muli %arg1, %mul3A : i32
    %add3A = arith.addi %mul3A_0, %arg0 : i32
    %mul3A_1 = arith.constant 1600 : i32
    %mul3A_2 = arith.muli %add3A, %mul3A_1 : i32
    "tpu.region"() ({
      %run_scoped3A = tpu.sem_alloc : memref<!tpu.dma_semaphore, #tpu.memory_space<semaphore_mem>>
      %dma_start3A = tpu.memref_slice %arg2[%mul3A_2] : memref<51200xi32, #tpu.memory_space<hbm>> -> memref<1600xi32, #tpu.memory_space<hbm>>
      %dma_start3A_17 = tpu.memref_slice %arg2[%mul3A_2] : memref<51200xi32, #tpu.memory_space<hbm>> -> memref<1600xi32, #tpu.memory_space<hbm>>
      tpu.enqueue_dma source(%dma_start3A_17 : memref<1600xi32, #tpu.memory_space<hbm>>) target(%arg4 : memref<1600xi32, #tpu.memory_space<vmem>>) target_semaphore(%run_scoped3A : memref<!tpu.dma_semaphore, #tpu.memory_space<semaphore_mem>>)
      %dma_wait3A = tpu.memref_slice %arg2[%mul3A_2] : memref<51200xi32, #tpu.memory_space<hbm>> -> memref<1600xi32, #tpu.memory_space<hbm>>
      %dma_wait3A_18 = tpu.memref_slice %arg2[%mul3A_2] : memref<51200xi32, #tpu.memory_space<hbm>> -> memref<1600xi32, #tpu.memory_space<hbm>>
      tpu.wait_dma2 semaphore(%run_scoped3A : memref<!tpu.dma_semaphore, #tpu.memory_space<semaphore_mem>>) src(%dma_wait3A_18 : memref<1600xi32, #tpu.memory_space<hbm>>) dst(%arg4 : memref<1600xi32, #tpu.memory_space<vmem>>)
      tpu.yield
    }) : () -> ()
    %broadcast_in_dim3A = arith.constant 0.000000e+00 : f32
    %broadcast_in_dim3A_3 = vector.broadcast %broadcast_in_dim3A : f32 to vector<16xf32>
    %broadcast_in_dim3A_4 = arith.constant 1.000000e+00 : f32
    %broadcast_in_dim3A_5 = vector.broadcast %broadcast_in_dim3A_4 : f32 to vector<16xf32>
    %scan3A = arith.constant 0 : i32
    %scan3A_6 = arith.constant 0 : i32
    %scan3A_7 = arith.constant 2000 : i32
    %scan3A_8 = arith.addi %scan3A_6, %scan3A_7 : i32
    %scan3A_9 = arith.constant 1 : i32
    scf.for %scan3A_17 = %scan3A_6 to %scan3A_8 step %scan3A_9  : i32 {
      %mul3A_18 = arith.constant 16 : i32
      %mul3A_19 = arith.muli %scan3A_17, %mul3A_18 : i32
      %swap3A = arith.index_cast %mul3A_19 : i32 to index
      %swap3A_20 = tpu.vector_load %arg5[%swap3A] {strides = array<i32>} : memref<32000xf32, #tpu.memory_space<vmem>>, vector<16xf32>,
      tpu.vector_store %arg5[%swap3A], %broadcast_in_dim3A_3 {strides = array<i32>} : memref<32000xf32, #tpu.memory_space<vmem>>, vector<16xf32>,
    }
    %scan3A_10 = arith.constant 2000 : i32
    %scan3A_11 = arith.constant 0 : i32
    %scan3A_12 = arith.constant 0 : i32
    %scan3A_13 = arith.constant 50 : i32
    %scan3A_14 = arith.addi %scan3A_12, %scan3A_13 : i32
    %scan3A_15 = arith.constant 1 : i32
    scf.for %scan3A_17 = %scan3A_12 to %scan3A_14 step %scan3A_15  : i32 {
      %mul3A_18 = arith.constant 20 : i32
      %mul3A_19 = arith.muli %scan3A_17, %mul3A_18 : i32
      %mul3A_20 = arith.constant 1600000 : i32
      %mul3A_21 = arith.muli %add3A, %mul3A_20 : i32
      %mul3A_22 = arith.constant 1600 : i32
      %mul3A_23 = arith.muli %mul3A_19, %mul3A_22 : i32
      %add3A_24 = arith.addi %mul3A_21, %mul3A_23 : i32
      "tpu.region"() ({
        %run_scoped3A = tpu.sem_alloc : memref<!tpu.dma_semaphore, #tpu.memory_space<semaphore_mem>>
        %dma_start3A = tpu.memref_slice %arg3[%add3A_24] : memref<51200000xf32, #tpu.memory_space<hbm>> -> memref<32000xf32, #tpu.memory_space<hbm>>
        %dma_start3A_25 = tpu.memref_slice %arg3[%add3A_24] : memref<51200000xf32, #tpu.memory_space<hbm>> -> memref<32000xf32, #tpu.memory_space<hbm>>
        tpu.enqueue_dma source(%arg5 : memref<32000xf32, #tpu.memory_space<vmem>>) target(%dma_start3A_25 : memref<32000xf32, #tpu.memory_space<hbm>>) target_semaphore(%run_scoped3A : memref<!tpu.dma_semaphore, #tpu.memory_space<semaphore_mem>>)
        %dma_wait3A = tpu.memref_slice %arg3[%add3A_24] : memref<51200000xf32, #tpu.memory_space<hbm>> -> memref<32000xf32, #tpu.memory_space<hbm>>
        %dma_wait3A_26 = tpu.memref_slice %arg3[%add3A_24] : memref<51200000xf32, #tpu.memory_space<hbm>> -> memref<32000xf32, #tpu.memory_space<hbm>>
        tpu.wait_dma2 semaphore(%run_scoped3A : memref<!tpu.dma_semaphore, #tpu.memory_space<semaphore_mem>>) src(%arg5 : memref<32000xf32, #tpu.memory_space<vmem>>) dst(%dma_wait3A_26 : memref<32000xf32, #tpu.memory_space<hbm>>)
        tpu.yield
      }) : () -> ()
    }
    %scan3A_16 = arith.constant 50 : i32
    return
  }
}

</mosaic_0001>

<sc_bundles>
// kernel: kernel.3.cloned.1.call-start
scs
__scs_entry_jumppad:
0x0: {  	(pc) =	sbr.rel $0x88, $3  }
0x1: {  	(tag) =	ssettag $0x0;
	lr =	simm.s32 $0x1  }
0x2: {  	[smem:$0x3FA0] =	sst lr;
	_ =	strace $0xD0000000  }
0x3: {  	_ = 	snop  }
0x4: {  	_ = 	snop  }
0x5: {  	_ = 	snop  }
0x6: {  	_ = 	snop  }
0x7: {  	_ = 	snop  }
__scs_overlays_trampoline_lowered:
0x8: {  	[smem:$0x3FAF] =	sst s0  }
0x9: {  	[smem:$0x3FB0] =	sst s1  }
0xa: {  	[smem:$0x3FB1] =	sst s2  }
0xb: {  	[smem:$0x3FB2] =	sst s3  }
0xc: {  	[smem:$0x3FB3] =	sst s4  }
0xd: {  	[smem:$0x3FB4] =	sst s5  }
0xe: {  	[smem:$0x3FB5] =	sst s6  }
0xf: {  	[smem:$0x3FB6] =	sst s7  }
0x10: {  	[smem:$0x3FB7] =	sst s8  }
0x11: {  	[smem:$0x3FB8] =	sst s9;
	s0 =	simm.s32 @!p0 $0x0  }
0x12: {  	s1 =	sld [smem:$0x3F9E];
	s0 =	simm.s32 @p0 $0x1  }
0x13: {  	[smem:$0x3FB9] =	sst s0;
	s0 =	simm.s32 @!p1 $0x0  }
0x14: {  	s2 =	sld [smem:$0x3F9D];
	s0 =	simm.s32 @p1 $0x1  }
0x15: {  	[smem:$0x3FBA] =	sst s0;
	s0 =	simm.s32 @!p2 $0x0  }
0x16: {  	s3 =	sld [smem:$0x3FDB];
	s0 =	simm.s32 @p2 $0x1  }
0x17: {  	s4 =	simm.s32 $0x1BF5;
	[smem:$0x3FBC] =	sst s0  }
0x18: {  	s0 =	sld [smem:$0x3F9F];
	_ =	swait.ge [sflag:s4], $0x0  }
0x19: {  	s7 =	sld [smem:$0x3FA0]  }
0x1a: {  	s8 =	sadd.s32 $0xFFFFE003, lr  }
0x1b: {  	s9 =	sadd.s32 $0xFFFFFEF7, lr;
	s5 =	simm.s32 $0xFFFFFFFF;
	p2 =	slt.u32 s8, $0xFFFFF086  }
0x1c: {  	p1 =	slt.u32 s9, $0xF7A;
	s5 =	simm.s32 @!p2 $0x0  }
0x1d: {  	s5 =	simm.s32 @p1 $0x1;
	p0 =	seq.s32 s7, s2  }
0x1e: {  	s7 =	smul.u32 @!p0 $0xF7A, s2;
	p2 =	seq.s32 @!p0 s5, $0x0  }
0x1f: {  	s9 =	smul.u32 $0xF7A, s1;
	s8 =	simm.s32 @!p0 $0x1BF5;
	p2 =	por !p2, p0  }
0x20: {  	[sflag:s8] =	ssyncset.s32 @!p0 $0xFFFFF086;
	s6 =	sadd.s32 @!p0 s3, s7;
	s7 =	simm.s32 @!p0 $0x108  }
0x21: {  	s3 =	sadd.s32 s3, s9;
	s6 =	sadd.s32 @!p0 $0x88, s6;
	s7 =	simm.s32 @p2 $0x1082  }
0x22: {  	[simem:s7], [sflag:s8] =	dma.local @!p0 [hbm:s6], $0xF7A  }
0x23: {  	s9 =	sor.u32 $0xD0000000, s2;
	s6 =	simm.s32 $0x108;
	_ =	swait.ge @!p0 [sflag:s8], $0x0  }
0x24: {  	s3 =	sadd.s32 $0x88, s3;
	s6 =	simm.s32 @!p1 $0x1082;
	[sflag:s4] =	ssyncset.s32 $0xFFFFF086  }
0x25: {  	[simem:s6], [sflag:s4] =	dma.local [hbm:s3], $0xF7A  }
0x26: {  	[smem:$0x3FA0] =	sst s1;
	(tag) =	ssettag s2;
	_ =	strace s9  }
0x27: {  	s1 =	sld [smem:$0x3FB0]  }
0x28: {  	s2 =	sld [smem:$0x3FB1]  }
0x29: {  	s4 =	sld [smem:$0x3FB3]  }
0x2a: {  	p0 =	seq.s32 s5, $0x0;
	s5 =	sld [smem:$0x3FB4]  }
0x2b: {  	s6 =	sld [smem:$0x3FB5]  }
0x2c: {  	s7 =	sld [smem:$0x3FB6]  }
0x2d: {  	s3 =	simm.s32 $0x108;
	s8 =	sld [smem:$0x3FB7]  }
0x2e: {  	s3 =	simm.s32 @!p0 $0x1082;
	s9 =	sld [smem:$0x3FB8]  }
0x2f: {  	lr =	sadd.s32 s0, s3;
	s0 =	sld [smem:$0x3FAF]  }
0x30: {  	s3 =	sld [smem:$0x3FB2]  }
0x31: {  	[smem:$0x3FBB] =	sst s10  }
0x32: {  	s10 =	sld [smem:$0x3FB9];
	_ =	sdelay $0x3  }
0x33: {  	p0 =	seq.s32 s10, $0x1;
	s10 =	sld [smem:$0x3FBB];
	_ =	sdelay $0x3  }
0x34: {  	[smem:$0x3FBB] =	sst s10  }
0x35: {  	s10 =	sld [smem:$0x3FBA];
	_ =	sdelay $0x3  }
0x36: {  	p1 =	seq.s32 s10, $0x1;
	s10 =	sld [smem:$0x3FBB];
	_ =	sdelay $0x3  }
0x37: {  	[smem:$0x3FBB] =	sst s10  }
0x38: {  	s10 =	sld [smem:$0x3FBC]  }
0x39: {  	_ = 	snop;
	(pc) =	sbr.ind lr, $3  }
0x3a: {  	_ = 	snop  }
0x3b: {  	_ = 	snop  }
0x3c: {  	p2 =	seq.s32 s10, $0x1;
	s10 =	sld [smem:$0x3FBB]  }
0x3d: {  	_ =	shalt  }
0x3e: {  	_ =	shalt  }
0x3f: {  	_ =	shalt  }
0x40: {  	_ =	shalt  }
0x41: {  	_ =	shalt  }
0x42: {  	_ =	shalt  }
0x43: {  	_ =	shalt  }
0x44: {  	_ =	shalt  }
0x45: {  	_ =	shalt  }
0x46: {  	_ =	shalt  }
0x47: {  	_ =	shalt  }
0x48: {  	_ =	shalt  }
0x49: {  	_ =	shalt  }
0x4a: {  	_ =	shalt  }
0x4b: {  	_ =	shalt  }
0x4c: {  	_ =	shalt  }
0x4d: {  	_ =	shalt  }
0x4e: {  	_ =	shalt  }
0x4f: {  	_ =	shalt  }
0x50: {  	_ =	shalt  }
0x51: {  	_ =	shalt  }
0x52: {  	_ =	shalt  }
0x53: {  	_ =	shalt  }
0x54: {  	_ =	shalt  }
0x55: {  	_ =	shalt  }
0x56: {  	_ =	shalt  }
0x57: {  	_ =	shalt  }
0x58: {  	_ =	shalt  }
0x59: {  	_ =	shalt  }
0x5a: {  	_ =	shalt  }
0x5b: {  	_ =	shalt  }
0x5c: {  	_ =	shalt  }
0x5d: {  	_ =	shalt  }
0x5e: {  	_ =	shalt  }
0x5f: {  	_ =	shalt  }
0x60: {  	_ =	shalt  }
0x61: {  	_ =	shalt  }
0x62: {  	_ =	shalt  }
0x63: {  	_ =	shalt  }
0x64: {  	_ =	shalt  }
0x65: {  	_ =	shalt  }
0x66: {  	_ =	shalt  }
0x67: {  	_ =	shalt  }
0x68: {  	_ =	shalt  }
0x69: {  	_ =	shalt  }
0x6a: {  	_ =	shalt  }
0x6b: {  	_ =	shalt  }
0x6c: {  	_ =	shalt  }
0x6d: {  	_ =	shalt  }
0x6e: {  	_ =	shalt  }
0x6f: {  	_ =	shalt  }
0x70: {  	_ =	shalt  }
0x71: {  	_ =	shalt  }
0x72: {  	_ =	shalt  }
0x73: {  	_ =	shalt  }
0x74: {  	_ =	shalt  }
0x75: {  	_ =	shalt  }
0x76: {  	_ =	shalt  }
0x77: {  	_ =	shalt  }
0x78: {  	_ =	shalt  }
0x79: {  	_ =	shalt  }
0x7a: {  	_ =	shalt  }
0x7b: {  	_ =	shalt  }
0x7c: {  	_ =	shalt  }
0x7d: {  	_ =	shalt  }
0x7e: {  	_ =	shalt  }
0x7f: {  	_ =	shalt  }
0x80: {  	_ =	shalt  }
0x81: {  	_ =	shalt  }
0x82: {  	_ =	shalt  }
0x83: {  	_ =	shalt  }
0x84: {  	_ =	shalt  }
0x85: {  	_ =	shalt  }
0x86: {  	_ =	shalt  }
0x87: {  	_ =	shalt  }
.Lfunc_end0:
.L_simem_size_0:
called_computation.2_lowered:
.L_overlay_start_0:
0x88: {  	s2 =	sld [smem:$0x3FD9]  }
0x89: {  	s3 =	sld [smem:$0x3FFE];
	_ =	sdelay $0x1  }
0x8a: {  	s1 =	srdreg.scid  }
0x8b: {  	s0 =	sand.u32 $0x1, s1  }
0x8c: {  	s17 =	sshll.u32 s0, $0xA;
	s2 =	sadd.s32 s3, s2  }
0x8d: {  	s2 =	sadd.s32 s2, s17  }
0x8e: {  	[smem:$0x3FC7] =	sst s2  }
0x8f: {  	_ = 	snop  }
0x90: {  	s2 =	sld [smem:$0x3FD0];
	(tm) =	ssettm $0x1  }
0x91: {  	s18 =	sld [smem:$0x3FFB];
	_ =	sdelay $0x3  }
0x92: {  	_ =	strace s18  }
0x93: {  	s3 =	sld [smem:$0x3FFC];
	_ =	sdelay $0x3  }
0x94: {  	_ =	strace s3  }
0x95: {  	s3 =	sld [smem:$0x3FFD];
	_ =	sdelay $0x3  }
0x96: {  	_ =	strace s3  }
0x97: {  	_ =	strace $0x8FFFFFFF  }
0x98: {  	s19 =	sld [smem:$0x3FDB];
	_ =	sdelay $0x1  }
0x99: {  	s4 =	simm.s32 $_scs_section_size  }
0x9a: {  	s5 =	simm.s32 $_size__tile_overlayer_lowered;
	s6 =	simm.s32 $_tile_overlayer_lowered  }
0x9b: {  	s22 =	simm.s32 $0x1BFF;
	s21 =	sshll.u32 s6, $0x1;
	s3 =	sadd.s32 s4, s19  }
0x9c: {  	s7 =	simm.s32 $0x0;
	s20 =	sshll.u32 s5, $0x1;
	s5 =	sadd.s32 s21, s3  }
0x9d: {  	[timem:s7], [sflag:s22] =	dma.local [hbm:s5], s20  }
0x9e: {  	_ =	swait.ge [sflag:s22], s20  }
0x9f: {  	s4 =	ssub.s32 $0x0, s20;
	[sflag:s22] =	ssyncset.done $0x0  }
0xa0: {  	[sflag:s22] =	ssyncadd.s32 s4;
	_ =	sdelay $0x1  }
0xa1: {  	s23 =	simm.s32 $0x1B8B  }
0xa2: {  	_ =	swait.ge [sflag:s23], $0x1  }
0xa3: {  	[sflag:s23] =	ssyncset.done $0x0  }
0xa4: {  	s25 =	simm.s32 $0x1B8E;
	s24 =	sld [smem:$0x3FFE];
	[sflag:s23] =	ssyncadd.s32 $0xFFFFFFFF  }
0xa5: {  	s26 =	simm.s32 $execute0_lowered;
	[smem:$0x3FD2] =	sst s25  }
0xa6: {  	s5 =	sshll.u32 s26, $0x1;
	_ =	strace $0x80000046;
	[dreg:$0x1] =	wrdreg $0xFFFFFFFF  }
0xa7: {  	s28 =	simm.s32 $_size_execute0_lowered;
	s3 =	sadd.s32 s3, s5;
	[dreg:$0x0] =	wrdreg $0x0  }
0xa8: {  	s5 =	sshll.u32 s28, $0x1;
	[dreg:$0x2] =	wrdreg s3  }
0xa9: {  	[dreg:$0x3] =	wrdreg s5  }
0xaa: {  	[dreg:$0x4] =	wrdreg $0xC0  }
0xab: {  	_ =	task [dreg:s7], $0x5FFFF  }
0xac: {  	[dreg:$0x1] =	wrdreg $0xFFFFFFFF  }
0xad: {  	[dreg:$0x0] =	wrdreg $0x60  }
0xae: {  	[dreg:$0x2] =	wrdreg s24  }
0xaf: {  	[dreg:$0x3] =	wrdreg s2  }
0xb0: {  	[dreg:$0x4] =	wrdreg $0x9  }
0xb1: {  	_ =	task.clear_ibuf [dreg:s7], $0x5FFFF;
	_ =	strace $0x90000046  }
0xb2: {  	s29 =	simm.s32 $0x9;
	_ =	strace $0x80000048  }
0xb3: {  	_ =	swait.ge [sflag:s29], $0x1  }
0xb4: {  	[sflag:s29] =	ssyncadd.s32 $0xFFFFFFFF  }
0xb5: {  	_ =	strace $0x90000048  }
0xb6: {  	_ =	sfence  }
0xb7: {  	s30 =	sld [smem:$0x0];
	_ =	sdelay $0x2  }
0xb8: {  	s31 =	sshll.u32 s1, $0xD;
	s1 =	sshrl.u32 s1, $0x2  }
0xb9: {  	s3 =	sand.u32 $0x4000, s31;
	s1 =	sadd.s32 s1, s30  }
0xba: {  	s0 =	sor.u32 s3, s0;
	s1 =	sshll.u32 s1, $0x11  }
0xbb: {  	s0 =	sor.u32 s1, s0  }
0xbc: {  	s0 =	sadd.s32 $0x8F2B, s0  }
0xbd: {  	[sflag:s0] =	ssyncadd.remote.s32 $0x1  }
0xbe: {  	_ =	sfence.sel $0xFFFF  }
0xbf: {  	[dreg:$0x0] =	wrdreg $0xFFFFFFFF;
	(pc) =	sbr.abs _section_cstart, $3  }
0xc0: {  	[dreg:$0x1] =	wrdreg $0xFFFFFFFF  }
0xc1: {  	_ =	task.clear_ibuf [dreg:s7], $0x2FFFF;
	_ =	strace $0x9FFFFFFF  }
0xc2: {  	(tm) =	ssettm $0x7FFFFFFF  }
0xc3: {  	_ =	shalt  }
tec
execute0_lowered:
.L_overlay_start_1:
0x0: {  	(tag) =	ssettag $0x1  }
0x1: {  	s3 =	rddreg [dreg:$0x0]  }
0x2: {  	s5 =	rddreg [dreg:$0x1]  }
0x3: {  	s0 =	rddreg [dreg:$0x2]  }
0x4: {  	s2 =	srdreg.scid;
	s1 =	stileid.u32  }
0x5: {  	s4 =	sand.u32 $0x1, s2;
	s6 =	sshll.u32 s1, $0x1;
	s7 =	smul.u32 $0x30D400, s1  }
0x6: {  	s2 =	simm.s32 $0x0;
	s6 =	sor.u32 s4, s6;
	s8 =	smul.u32 $0x186A00, s4  }
0x7: {  	[smem:$0x7FF] =	sst s2;
	s4 =	ssub.s32 $0x2, s4;
	s6 =	smul.u32 $0xC8, s6  }
0x8: {  	_ =	strace $0x80000047;
	s30 =	sshrl.u32 s4, $0x1;
	s7 =	sadd.s32 s8, s7  }
0x9: {  	s4 =	ssub.s32 s4, s30;
	s8 =	simm.s32 $0x0;
	s3 =	sadd.s32 s6, s3  }
0xa: {  	s31 =	sshrl.u32 s7, $0x3;
	s4 =	smax.u32 s4, $0x1;
	s6 =	simm.s32 $0x1  }
0xb: {  	v0 =	vimm.f32 $0.0e+00;
	s7 =	simm.s32 $0x680;
	s3 =	sadd.s32 $0xC00, s3;
	s5 =	sadd.s32 s31, s5  }
.LBB2_1:
0xc: {  	[tilespmem:s2], [sflag:$0x1] =	stream.linear.gather [hbm4b:s3+s2], $0x640, $0x38;
	[tilespmem:$0x8380] =	vst v63  }
0xd: {  	_ =	swait.ge [sflag:s6], $0x640  }
0xe: {  	[sflag:s6] =	ssyncset.done $0x0  }
0xf: {  	s9 =	simm.s32 $0x0;
	[sflag:s6] =	ssyncadd.s32 $0xFFFFF9C0  }
.LBB2_2:
0x10: {  	p0 =	sne.s32 s9, $0x1F3C0  }
.Ltmp0:
0x11: {  	_ = 	snop;
	(pc) =	sbr.rel @p0 .LBB2_2-.Ltmp0, $3  }
0x12: {  	_ =	sdelay $0x1  }
0x13: {  	s10 =	sshra.s32 s9, $0x2  }
0x14: {  	s9 =	sadd.s32 $0x40, s9;
	[tilespmem:s10+$0x680] =	vst v0  }
0x15: {  	s9 =	sadd.s32 $0x0, s5  }
0x16: {  	[hbm4b:s9+s2] =	stream.linear.scatter [tilespmem:s7], [sflag:$0x1], $0x7D00, $0x38;
	[tilespmem:$0x8380] =	vst v63  }
0x17: {  	_ =	swait.ge [sflag:s6], $0x7D00  }
0x18: {  	s9 =	simm.s32 $0xFA0;
	[sflag:s6] =	ssyncset.done $0x0  }
.LBB2_4:
0x19: {  	s10 =	sadd.s32 s9, s5;
	[sflag:s6] =	ssyncadd.s32 $0xFFFF8300;
	p0 =	sne.s32 s9, $0x2FDA0  }
0x1a: {  	[hbm4b:s10+s2] =	stream.linear.scatter [tilespmem:s7], [sflag:$0x1], $0x7D00, $0x38;
	[tilespmem:$0x8380] =	vst v63  }
.Ltmp1:
0x1b: {  	_ = 	snop;
	(pc) =	sbr.rel @p0 .LBB2_4-.Ltmp1, $4  }
0x1c: {  	_ = 	snop  }
0x1d: {  	s9 =	sadd.s32 $0xFA0, s9  }
0x1e: {  	_ =	swait.ge [sflag:s6], $0x7D00  }
0x1f: {  	[sflag:s6] =	ssyncset.done $0x0  }
0x20: {  	s8 =	sadd.s32 $0x1, s8  }
0x21: {  	p0 =	sne.s32 s8, s4  }
.Ltmp2:
0x22: {  	_ = 	snop;
	(pc) =	sbr.rel @p0 .LBB2_1-.Ltmp2, $2  }
0x23: {  	_ =	sdelay $0x2  }
0x24: {  	[sflag:s6] =	ssyncadd.s32 $0xFFFF8300  }
0x25: {  	_ =	sfence.sel $0x180000  }
0x26: {  	[bflag:$0x0] =	sbarrier.arrive $0xFFFF  }
0x27: {  	p0 =	sne.s32 s1, $0x0;
	_ =	strace $0x90000047  }
0x28: {  	s0 =	sadd.s32 @!p0 $0x100000, s0;
	[bflag:$0x2] =	sbarrier.arrive $0xFFFF  }
0x29: {  	[sflag:s0] =	ssyncadd.tile.s32 @!p0 $0x1;
	_ =	shalt  }
.Lfunc_end2:
_tile_overlayer_lowered:
.L_overlay_start_2:
0x2a: {  	(tag) =	ssettag $0x2  }
0x2b: {  	s0 =	rddreg [dreg:$0x0];
	s2 =	stileid.u32  }
0x2c: {  	s1 =	rddreg [dreg:$0x1];
	p0 =	sne.s32 s2, $0x0  }
0x2d: {  	s3 =	rddreg [dreg:$0x2];
	[bflag:$0x3] =	sbarrier.arrive $0xFFFF;
	s2 =	simm.s32 @!p0 $0x1C01  }
0x2e: {  	[timem:s3], [sflag:s2] =	dma.local @!p0 [hbm:s0], s1  }
0x2f: {  	s0 =	simm.s32 @!p0 $0x1  }
0x30: {  	_ =	swait.ge @!p0 [sflag:s0], s1  }
0x31: {  	s1 =	ssub.s32 @!p0 $0x0, s1;
	[sflag:s0] =	ssyncset.done @!p0 $0x0  }
0x32: {  	[sflag:s0] =	ssyncadd.s32 @!p0 s1  }
0x33: {  	[bflag:$0x3] =	sbarrier.arrive $0xFFFF  }
0x34: {  	_ =	shalt  }

// kernel: sparse-core-data-format-call.1.cloned.1.call-start
scs
called_computation.1_lowered:
.L_overlay_start_0:
0x0: {  	s1 =	sld [smem:$0x3FD9]  }
0x1: {  	s2 =	sld [smem:$0x3FFE];
	_ =	sdelay $0x1  }
0x2: {  	s3 =	srdreg.scid  }
0x3: {  	s0 =	sand.u32 $0x1, s3  }
0x4: {  	s17 =	sshll.u32 s0, $0xA;
	s1 =	sadd.s32 s2, s1  }
0x5: {  	s1 =	sadd.s32 s1, s17  }
0x6: {  	[smem:$0x3FC7] =	sst s1  }
0x7: {  	_ = 	snop  }
0x8: {  	(tm) =	ssettm $0x1  }
0x9: {  	s18 =	sld [smem:$0x3FFB];
	_ =	sdelay $0x3  }
0xa: {  	_ =	strace s18  }
0xb: {  	s1 =	sld [smem:$0x3FFC];
	_ =	sdelay $0x3  }
0xc: {  	_ =	strace s1  }
0xd: {  	s1 =	sld [smem:$0x3FFD];
	_ =	sdelay $0x3  }
0xe: {  	_ =	strace s1  }
0xf: {  	_ =	strace $0x8FFFFFFF  }
0x10: {  	s19 =	sld [smem:$0x3FDB];
	_ =	sdelay $0x1  }
0x11: {  	s20 =	simm.s32 $_scs_section_size  }
0x12: {  	s4 =	simm.s32 $_size__tile_overlayer_lowered;
	s5 =	simm.s32 $_tile_overlayer_lowered  }
0x13: {  	s23 =	simm.s32 $0x1BFF;
	s22 =	sshll.u32 s5, $0x1;
	s1 =	sadd.s32 s20, s19  }
0x14: {  	s6 =	simm.s32 $0x0;
	s21 =	sshll.u32 s4, $0x1;
	s4 =	sadd.s32 s22, s1  }
0x15: {  	[timem:s6], [sflag:s23] =	dma.local [hbm:s4], s21  }
0x16: {  	_ =	swait.ge [sflag:s23], s21  }
0x17: {  	s2 =	ssub.s32 $0x0, s21;
	[sflag:s23] =	ssyncset.done $0x0  }
0x18: {  	[sflag:s23] =	ssyncadd.s32 s2;
	_ =	sdelay $0x1  }
0x19: {  	s24 =	simm.s32 $0x1B8B  }
0x1a: {  	_ =	swait.ge [sflag:s24], $0x1  }
0x1b: {  	[sflag:s24] =	ssyncset.done $0x0  }
0x1c: {  	s26 =	simm.s32 $0x1B8E;
	s25 =	sld [smem:$0x3FFE];
	[sflag:s24] =	ssyncadd.s32 $0xFFFFFFFF  }
0x1d: {  	s27 =	simm.s32 $execute0_lowered;
	[smem:$0x3FD2] =	sst s26  }
0x1e: {  	s4 =	sshll.u32 s27, $0x1;
	_ =	strace $0x80000049;
	[dreg:$0x1] =	wrdreg $0xFFFFFFFF  }
0x1f: {  	s28 =	simm.s32 $_size_execute0_lowered;
	s1 =	sadd.s32 s1, s4;
	[dreg:$0x0] =	wrdreg $0x0  }
0x20: {  	s4 =	sshll.u32 s28, $0x1;
	[dreg:$0x2] =	wrdreg s1  }
0x21: {  	[dreg:$0x3] =	wrdreg s4  }
0x22: {  	[dreg:$0x4] =	wrdreg $0xC0  }
0x23: {  	_ =	task [dreg:s6], $0x5FFFF  }
0x24: {  	[dreg:$0x1] =	wrdreg $0xFFFFFFFF  }
0x25: {  	[dreg:$0x0] =	wrdreg $0x60  }
0x26: {  	[dreg:$0x2] =	wrdreg s25  }
0x27: {  	[dreg:$0x3] =	wrdreg $0x9  }
0x28: {  	_ =	task.clear_ibuf [dreg:s6], $0x4FFFF;
	_ =	strace $0x90000049  }
0x29: {  	s29 =	simm.s32 $0x9;
	_ =	strace $0x8000004B  }
0x2a: {  	_ =	swait.ge [sflag:s29], $0x1  }
0x2b: {  	[sflag:s29] =	ssyncadd.s32 $0xFFFFFFFF  }
0x2c: {  	_ =	strace $0x9000004B  }
0x2d: {  	_ =	sfence  }
0x2e: {  	s30 =	sld [smem:$0x0];
	_ =	sdelay $0x2  }
0x2f: {  	s31 =	sshll.u32 s3, $0xD;
	s3 =	sshrl.u32 s3, $0x2  }
0x30: {  	s2 =	sand.u32 $0x4000, s31;
	s1 =	sadd.s32 s3, s30  }
0x31: {  	s0 =	sor.u32 s2, s0;
	s1 =	sshll.u32 s1, $0x11  }
0x32: {  	s0 =	sor.u32 s1, s0  }
0x33: {  	s0 =	sadd.s32 $0x8F2B, s0  }
0x34: {  	[sflag:s0] =	ssyncadd.remote.s32 $0x1  }
0x35: {  	_ =	sfence.sel $0xFFFF  }
0x36: {  	[dreg:$0x0] =	wrdreg $0xFFFFFFFF;
	(pc) =	sbr.abs _section_cstart, $3  }
0x37: {  	[dreg:$0x1] =	wrdreg $0xFFFFFFFF  }
0x38: {  	_ =	task.clear_ibuf [dreg:s6], $0x2FFFF;
	_ =	strace $0x9FFFFFFF  }
0x39: {  	(tm) =	ssettm $0x7FFFFFFF  }
tec
execute0_lowered:
.L_overlay_start_1:
0x0: {  	(tag) =	ssettag $0x1  }
0x1: {  	s0 =	rddreg [dreg:$0x0];
	_ =	strace $0x8000004A;
	s30 =	srdreg.scid  }
0x2: {  	s2 =	stileid.u32;
	s1 =	simm.s32 $0x1;
	s31 =	simm.s32 $0x2  }
0x3: {  	s15 =	simm.s32 $0x0;
	s16 =	simm.s32 $0x0;
	s17 =	simm.s32 $0x0  }
0x4: {  	s8 =	simm.s32 $0x0;
	s10 =	simm.s32 $0x0;
	s12 =	simm.s32 $0x0  }
.Ltmp0:
0x5: {  	s6 =	sadd.s32 $0xC00, s0;
	s0 =	sadd.s32 $0x659C00, s0;
	(pc) =	sbr.rel .LBB1_1-.Ltmp0, $4  }
0x6: {  	s11 =	simm.s32 $0x0;
	[dreg:$0x3] =	wrdreg s0;
	s0 =	sshll.u32 s30, $0x4  }
0x7: {  	s13 =	simm.s32 $0x0;
	s9 =	simm.s32 $0x0;
	s0 =	sand.u32 $0x10, s0  }
0x8: {  	[sflag:s1] =	ssyncpa.u1 $0x0;
	[dreg:$0x2] =	wrdreg s6;
	s7 =	sor.u32 s2, s0  }
0x9: {  	[sflag:s31] =	ssyncpa.u1 $0x0;
	s14 =	smov.u32 s7;
	[dreg:$0x4] =	wrdreg s7  }
.LBB1_14:
0xa: {  	s8 =	rddreg [dreg:$0x5]  }
0xb: {  	s10 =	rddreg [dreg:$0x7]  }
0xc: {  	s3 =	rddreg [dreg:$0x10]  }
0xd: {  	s4 =	rddreg [dreg:$0x11]  }
0xe: {  	s23 =	rddreg [dreg:$0xf]  }
0xf: {  	s12 =	rddreg [dreg:$0x9]  }
0x10: {  	s26 =	rddreg [dreg:$0x3]  }
0x11: {  	s29 =	rddreg [dreg:$0x12]  }
0x12: {  	s6 =	rddreg [dreg:$0x2]  }
0x13: {  	s7 =	rddreg [dreg:$0x4]  }
0x14: {  	s9 =	rddreg [dreg:$0x6]  }
0x15: {  	s11 =	rddreg [dreg:$0x8]  }
0x16: {  	s13 =	rddreg [dreg:$0xa]  }
0x17: {  	s14 =	rddreg [dreg:$0xb]  }
0x18: {  	s15 =	rddreg [dreg:$0xc]  }
0x19: {  	s16 =	rddreg [dreg:$0xd]  }
0x1a: {  	s31 =	simm.s32 $0x2000;
	s17 =	rddreg [dreg:$0xe]  }
0x1b: {  	s0 =	sshll.u32 s8, $0xA;
	s1 =	sshll.u32 s10, $0x3;
	p0 =	sgt.s32 s10, $0x380  }
0x1c: {  	s2 =	smov.u32 s10;
	s24 =	sshll.u32 s8, $0x7;
	s25 =	sand.u32 $0x78, s10  }
0x1d: {  	s5 =	smul.u32 $0x32000, s12;
	s27 =	sand.u32 $0x7, s10;
	s0 =	sand.u32 $0xFFFFE000, s0  }
0x1e: {  	s1 =	sand.u32 $0xFFFFFC00, s1;
	s2 =	simm.s32 @!p0 $0x380;
	p0 =	sgt.s32 s8, $0x5C0  }
0x1f: {  	s0 =	sadd.s32 s1, s0;
	s1 =	smov.u32 s8;
	s2 =	sadd.s32 s3, s2  }
0x20: {  	s0 =	sshrl.u32 s0, $0xA;
	s1 =	simm.s32 @!p0 $0x5C0;
	s3 =	sadd.s32 $0xFFFFFC80, s2  }
0x21: {  	s2 =	ssub.s32 $0x400, s2;
	s1 =	sadd.s32 s4, s1;
	p0 =	sgt.s32 s3, $0x7F  }
0x22: {  	s22 =	smulhi.u32 $0x28F5C3, s0;
	s4 =	sadd.s32 $0xFFFFFA40, s1;
	s2 =	simm.s32 @p0 $0x0  }
0x23: {  	s1 =	ssub.s32 $0x640, s1;
	p0 =	sgt.s32 s4, $0x7F;
	s2 =	smul.u32 s23, s2  }
0x24: {  	s3 =	smul.u32 $0x640, s22;
	s4 =	sand.u32 $0x380, s24;
	s1 =	simm.s32 @p0 $0x0  }
0x25: {  	s28 =	sshll.u32 s27, $0x12;
	s1 =	smul.u32 s1, s2;
	s2 =	sor.u32 s25, s4  }
0x26: {  	s0 =	ssub.s32 s0, s3;
	s3 =	sadd.s32 s26, s5;
	s2 =	sshrl.u32 s2, $0x3  }
0x27: {  	s30 =	sor.u32 $0x400, s28;
	s0 =	sshll.u32 s0, $0x7;
	s2 =	sadd.s32 s2, s3  }
0x28: {  	s4 =	sor.u32 $0x8000, s29;
	s1 =	sand.u32 $0x3FFFFFFF, s1;
	s0 =	sadd.s32 s0, s2  }
0x29: {  	[hbm4b:s0+s30] =	stream.strided.scatter [tilespmem:s4], [sflag:$0x2], s1, s31, s30, $0x20;
	[tilespmem:$0x10100] =	vst v63  }
.LBB1_15:
0x2a: {  	p0 =	slt.u32 s9, $0x2  }
0x2b: {  	p1 =	sgt.s32 @!p0 s17, $0x1F  }
0x2c: {  	s0 =	smov.u32 s17;
	s1 =	sshra.s32 @!p0 s17, $0x1F;
	p1 =	por !p1, p0  }
0x2d: {  	s1 =	sand.u32 @!p0 s1, s17;
	s0 =	simm.s32 @p1 $0x1F  }
0x2e: {  	s3 =	smov.u32 s15;
	s0 =	ssub.s32 @!p0 s0, s1  }
0x2f: {  	p2 =	sgt.s32 @!p0 s16, $0x380;
	s2 =	sshra.s32 @!p0 s16, $0x1F;
	s1 =	sadd.s32 @!p0 $0xFFFFFFE1, s0  }
0x30: {  	p2 =	por !p2, p0;
	p1 =	sgt.s32 @!p0 s1, $0x0;
	s1 =	smov.u32 s16  }
0x31: {  	s2 =	sand.u32 @!p0 s2, s16;
	s1 =	simm.s32 @p2 $0x380;
	p2 =	sgt.s32 @!p0 s15, $0x5C0  }
0x32: {  	s0 =	ssub.s32 @!p0 $0x20, s0;
	p1 =	por !p1, p0;
	p2 =	por !p2, p0  }
0x33: {  	s1 =	ssub.s32 @!p0 s1, s2;
	s2 =	sshra.s32 @!p0 s15, $0x1F;
	s0 =	simm.s32 @!p1 $0x0  }
0x34: {  	s3 =	simm.s32 @p2 $0x5C0;
	s2 =	sand.u32 @!p0 s2, s15;
	s4 =	sadd.s32 @!p0 $0xFFFFFC80, s1  }
0x35: {  	s1 =	ssub.s32 @!p0 $0x400, s1;
	s2 =	ssub.s32 @!p0 s3, s2;
	p1 =	sgt.s32 @!p0 s4, $0x7F  }
0x36: {  	s4 =	smov.u32 s13;
	s3 =	sadd.s32 @!p0 $0xFFFFFA40, s2;
	p1 =	por !p1, p0  }
0x37: {  	s2 =	ssub.s32 @!p0 $0x640, s2;
	p2 =	sgt.s32 @!p0 s3, $0x7F;
	s1 =	simm.s32 @!p1 $0x0  }
0x38: {  	p1 =	por !p2, p0;
	s0 =	smul.u32 @!p0 s0, s1;
	s1 =	sadd.s32 $0x80, s11  }
0x39: {  	s3 =	sadd.s32 $0x80, s13;
	s2 =	simm.s32 @!p1 $0x0;
	p1 =	sgt.s32 s1, $0x63F  }
0x3a: {  	s0 =	smul.u32 @!p0 s2, s0;
	s4 =	smov.u32 @p1 s3  }
0x3b: {  	s2 =	sadd.s32 $0x20, s14;
	s3 =	smov.u32 s14;
	p2 =	sgt.s32 s4, $0x3E7  }
0x3c: {  	s9 =	sadd.s32 $0x1, s9;
	s3 =	smov.u32 @p2 s2  }
0x3d: {  	s17 =	smov.u32 s12;
	s1 =	simm.s32 @p1 $0x0;
	p1 =	sgt.s32 s3, $0x1F  }
0x3e: {  	s12 =	smov.u32 s14;
	s3 =	smov.u32 @p1 s7;
	p1 =	sne.s32 s9, $0x6A  }
.Ltmp1:
0x3f: {  	s16 =	smov.u32 s10;
	s10 =	smov.u32 s13;
	(pc) =	sbr.rel @!p1 .LBB1_16-.Ltmp1, $4  }
0x40: {  	s15 =	smov.u32 s8;
	s0 =	sand.u32 @!p0 $0x3FFFFFFF, s0;
	s2 =	simm.s32 @!p0 $0x2  }
0x41: {  	s8 =	smov.u32 s11;
	s11 =	smov.u32 s1;
	_ =	swait.ge @!p0 [sflag:s2], s0  }
0x42: {  	s4 =	simm.s32 @p2 $0x0;
	s0 =	ssub.s32 @!p0 $0x0, s0;
	[sflag:s2] =	ssyncset.done @!p0 $0x0  }
0x43: {  	s13 =	smov.u32 s4;
	[sflag:s2] =	ssyncadd.s32 @!p0 s0;
	s14 =	smov.u32 s3  }
.LBB1_1:
0x44: {  	p0 =	sgt.u32 s9, $0x67  }
0x45: {  	s5 =	smov.u32 s11;
	s0 =	sshrl.u32 @!p0 s13, $0x3  }
0x46: {  	s1 =	sshll.u32 @!p0 s11, $0x3;
	p1 =	sgt.s32 @!p0 s14, $0x1F;
	s0 =	smul.u32 @!p0 $0x3400, s0  }
0x47: {  	s2 =	sshra.s32 @!p0 s14, $0x1F;
	s3 =	sshll.u32 @!p0 s13, $0x7;
	s1 =	sand.u32 @!p0 $0xFFFFFC00, s1  }
0x48: {  	p1 =	por !p1, p0;
	s0 =	sadd.s32 @!p0 s0, s1;
	s1 =	smov.u32 s14  }
0x49: {  	s2 =	sand.u32 @!p0 s2, s14;
	s3 =	sand.u32 @!p0 $0x380, s3;
	s1 =	simm.s32 @p1 $0x1F  }
0x4a: {  	p1 =	sgt.s32 @!p0 s13, $0x368;
	s0 =	sor.u32 @!p0 s3, s0;
	s1 =	ssub.s32 @!p0 s1, s2  }
0x4b: {  	s3 =	smov.u32 s13;
	p1 =	por !p1, p0;
	s2 =	sadd.s32 @!p0 $0xFFFFFFE1, s1  }
0x4c: {  	s3 =	simm.s32 @p1 $0x368;
	p1 =	sgt.s32 @!p0 s2, $0x0;
	s2 =	sshra.s32 @!p0 s13, $0x1F  }
0x4d: {  	s1 =	ssub.s32 @!p0 $0x20, s1;
	p1 =	por !p1, p0;
	s2 =	sand.u32 @!p0 s2, s13  }
0x4e: {  	s1 =	simm.s32 @!p1 $0x0;
	s2 =	ssub.s32 @!p0 s3, s2;
	p1 =	sgt.s32 @!p0 s11, $0x600  }
0x4f: {  	s3 =	smulhi.u32 @!p0 $0x4EC4EC4F, s0;
	s4 =	sadd.s32 @!p0 $0xFFFFFC98, s2;
	p1 =	por !p1, p0  }
0x50: {  	s5 =	simm.s32 @p1 $0x600;
	p1 =	sgt.s32 @!p0 s4, $0x7F;
	s4 =	sshra.s32 @!p0 s11, $0x1F  }
0x51: {  	s2 =	ssub.s32 @!p0 $0x3E8, s2;
	p1 =	por !p1, p0;
	s4 =	sand.u32 @!p0 s4, s11  }
0x52: {  	s3 =	sshrl.u32 @!p0 s3, $0x9;
	s4 =	ssub.s32 @!p0 s5, s4;
	s2 =	simm.s32 @!p1 $0x0  }
0x53: {  	s5 =	sand.u32 @!p0 $0x7F, s11;
	s1 =	smul.u32 @!p0 s1, s2;
	s2 =	sadd.s32 @!p0 $0xFFFFFA00, s4  }
0x54: {  	s0 =	sor.u32 @!p0 s5, s0;
	s5 =	smulhi.u32 @!p0 $0x418938, s3;
	p1 =	sgt.s32 @!p0 s2, $0x7F  }
0x55: {  	s4 =	ssub.s32 @!p0 $0x680, s4;
	s2 =	smulhi.u32 @!p0 $0x4EC4EC4F, s0;
	p1 =	por !p1, p0  }
0x56: {  	s5 =	smul.u32 @!p0 $0x3E8, s5;
	s4 =	simm.s32 @!p1 $0x0  }
0x57: {  	s2 =	sshrl.u32 @!p0 s2, $0x9;
	s1 =	smul.u32 @!p0 s4, s1  }
0x58: {  	s4 =	sxor.u32 @!p0 $0xFFFFFFFF, s9;
	s2 =	smul.u32 @!p0 $0x680, s2  }
0x59: {  	s3 =	ssub.s32 @!p0 s3, s5;
	s5 =	smul.u32 @!p0 $0x32C80, s14;
	s4 =	sshll.u32 @!p0 s4, $0xE  }
0x5a: {  	s4 =	sand.u32 @!p0 $0x4000, s4;
	s0 =	ssub.s32 @!p0 s0, s2;
	s2 =	smul.u32 @!p0 $0xD0, s3  }
0x5b: {  	s1 =	sand.u32 @!p0 $0x3FFFFFFF, s1;
	s3 =	sadd.s32 @!p0 s6, s5;
	s5 =	sand.u32 @!p0 $0x7, s0  }
0x5c: {  	s0 =	sshrl.u32 @!p0 s0, $0x3;
	s2 =	sadd.s32 @!p0 s2, s3;
	s3 =	sshll.u32 @!p0 s5, $0x12  }
0x5d: {  	s0 =	sadd.s32 @!p0 s0, s2;
	s2 =	sor.u32 @!p0 $0x400, s3;
	s3 =	simm.s32 @!p0 $0x3400  }
0x5e: {  	[tilespmem:s4], [sflag:$0x1] =	stream.strided.gather @!p0 [hbm4b:s0+s2], s1, s3, s2, $0x38;
	[tilespmem:$0x10100] =	vst v63  }
0x5f: {  	p0 =	seq.s32 s9, $0x0  }
0x60: {  	p1 =	seq.s32 @!p0 s9, $0x69  }
0x61: {  	p0 =	por p0, p1  }
.Ltmp2:
0x62: {  	_ = 	snop;
	(pc) =	sbr.rel @p0 .LBB1_15-.Ltmp2, $1  }
0x63: {  	_ =	sdelay $0x3  }
0x64: {  	[dreg:$0xe] =	wrdreg s17  }
0x65: {  	[dreg:$0xd] =	wrdreg s16  }
0x66: {  	[dreg:$0xc] =	wrdreg s15  }
0x67: {  	[dreg:$0xb] =	wrdreg s14  }
0x68: {  	[dreg:$0xa] =	wrdreg s13  }
0x69: {  	[dreg:$0x8] =	wrdreg s11  }
0x6a: {  	p0 =	sgt.s32 s12, $0x1F;
	s0 =	smov.u32 s12;
	s1 =	sshra.s32 s12, $0x1F  }
0x6b: {  	s25 =	ssub.s32 $0x0, s10;
	s2 =	sshra.s32 s10, $0x1F;
	s3 =	smov.u32 s10  }
0x6c: {  	p1 =	sgt.s32 s8, $0x600;
	s27 =	ssub.s32 $0x0, s8;
	[dreg:$0x5] =	wrdreg s8  }
0x6d: {  	s28 =	sshra.s32 s8, $0x1F;
	s0 =	simm.s32 @!p0 $0x1F;
	s1 =	sand.u32 s1, s12  }
0x6e: {  	p0 =	sgt.s32 s10, $0x368;
	s29 =	sand.u32 s27, s28;
	s0 =	ssub.s32 s0, s1  }
0x6f: {  	s1 =	sand.u32 s25, s2;
	s3 =	simm.s32 @!p0 $0x368;
	s2 =	smov.u32 s8  }
0x70: {  	s4 =	sadd.s32 $0xFFFFFFE1, s0;
	[dreg:$0x10] =	wrdreg s1;
	s1 =	sadd.s32 s1, s3  }
0x71: {  	s5 =	ssub.s32 $0x20, s0;
	s2 =	simm.s32 @!p1 $0x600;
	p0 =	sgt.s32 s4, $0x0  }
0x72: {  	s26 =	sadd.s32 $0xFFFFFC98, s1;
	s0 =	ssub.s32 $0x3E8, s1;
	s1 =	sadd.s32 s29, s2  }
0x73: {  	[dreg:$0x9] =	wrdreg s12;
	s5 =	simm.s32 @p0 $0x0;
	s2 =	sadd.s32 $0xFFFFFA00, s1  }
0x74: {  	s1 =	ssub.s32 $0x680, s1;
	p0 =	sgt.s32 s2, $0x7F;
	s2 =	sadd.s32 $0x1, s12  }
0x75: {  	s3 =	sadd.s32 $0x80, s10;
	s1 =	simm.s32 @p0 $0x0;
	p0 =	slt.s32 s2, $0x20  }
0x76: {  	p1 =	sgt.s32 s26, $0x7F;
	s2 =	simm.s32 @!p0 $0x20;
	p0 =	slt.s32 s3, $0x3E8  }
0x77: {  	s0 =	simm.s32 @p1 $0x0;
	s21 =	ssub.s32 s2, s12;
	s3 =	simm.s32 @!p0 $0x3E8  }
0x78: {  	s0 =	smul.u32 s5, s0;
	s22 =	ssub.s32 s3, s10;
	p0 =	slt.s32 s21, $0x1  }
0x79: {  	[dreg:$0x7] =	wrdreg s10;
	p1 =	slt.s32 @!p0 s22, $0x1  }
0x7a: {  	[dreg:$0x6] =	wrdreg s9;
	s0 =	smul.u32 s1, s0;
	p1 =	por p0, p1  }
.Ltmp3:
0x7b: {  	s30 =	simm.s32 $0x1;
	[dreg:$0x11] =	wrdreg s29;
	(pc) =	sbr.rel @p1 .LBB1_14-.Ltmp3, $4  }
0x7c: {  	[dreg:$0xf] =	wrdreg s5;
	s1 =	sand.u32 $0x3FFFFFFF, s0;
	s0 =	sand.u32 $0x1, s9  }
0x7d: {  	_ =	swait.ge [sflag:s30], s1;
	s31 =	smul.u32 $0x4080, s0  }
0x7e: {  	s1 =	ssub.s32 $0x0, s1;
	[sflag:s30] =	ssyncset.done $0x0  }
0x7f: {  	[sflag:s30] =	ssyncadd.s32 s1;
	[dreg:$0x12] =	wrdreg s31  }
0x80: {  	s2 =	rddreg [dreg:$0x5]  }
0x81: {  	s1 =	sadd.s32 $0x80, s2  }
0x82: {  	p1 =	slt.s32 s1, $0x640  }
.Ltmp4:
0x83: {  	s1 =	simm.s32 @!p1 $0x640;
	(pc) =	sbr.rel .LBB1_4-.Ltmp4, $4  }
0x84: {  	s25 =	sshll.u32 @!p0 s0, $0xE;
	s0 =	rddreg [dreg:$0x12];
	s1 =	ssub.s32 s1, s2  }
0x85: {  	s28 =	simm.s32 $0x0;
	s26 =	sor.u32 @!p0 $0x8000, s0;
	s1 =	sadd.s32 $0xF, s1  }
0x86: {  	s23 =	sand.u32 $0xFFFFFFF0, s1;
	s24 =	sand.u32 @!p0 $0xFFFFFF00, s1;
	s31 =	sshll.u32 s1, $0x3  }
0x87: {  	p0 =	slt.s32 s1, $0x100;
	s27 =	sand.u32 $0xFFFFF800, s31;
	p1 =	sge.s32 s24, s23  }
.LBB1_13:
0x88: {  	s28 =	sadd.s32 $0x1, s28  }
0x89: {  	p2 =	sne.s32 s28, s21  }
.Ltmp5:
0x8a: {  	_ = 	snop;
	(pc) =	sbr.rel @!p2 .LBB1_14-.Ltmp5, $1  }
0x8b: {  	_ =	sdelay $0x3  }
.LBB1_4:
.Ltmp6:
0x8c: {  	(pc) =	sbr.rel .LBB1_5-.Ltmp6, $4  }
0x8d: {  	s1 =	smul.u32 $0x10200, s28  }
0x8e: {  	s0 =	sshll.u32 s28, $0x10  }
0x8f: {  	s31 =	simm.s32 $0x400;
	s0 =	sshra.s32 s0, $0x2;
	s20 =	sshra.s32 s1, $0x2  }
0x90: {  	s29 =	sadd.s32 s0, s25;
	s0 =	simm.s32 $0x0;
	s30 =	sadd.s32 s20, s26  }
.LBB1_12:
0x91: {  	s0 =	sadd.s32 $0x1, s0  }
0x92: {  	p2 =	sne.s32 s0, s22  }
.Ltmp7:
0x93: {  	_ = 	snop;
	(pc) =	sbr.rel @!p2 .LBB1_13-.Ltmp7, $2  }
0x94: {  	_ =	sdelay $0x2  }
0x95: {  	s31 =	sadd.s32 $0x80, s31  }
.LBB1_5:
.Ltmp8:
0x96: {  	(pc) =	sbr.rel @p0 .LBB1_9-.Ltmp8, $2  }
0x97: {  	_ =	sdelay $0x2  }
0x98: {  	s1 =	sshll.u32 s0, $0x7;
	s6 =	sand.u32 $0x7F, s0  }
0x99: {  	s9 =	sshll.u32 s0, $0x3  }
0x9a: {  	s5 =	sand.u32 $0x380, s1;
	s7 =	sshrl.u32 s9, $0x7;
	s3 =	sadd.s32 $0x800, s9  }
0x9b: {  	s11 =	sadd.s32 $0x1000, s9;
	s10 =	sadd.s32 s5, s29;
	s15 =	sadd.s32 $0x1800, s9  }
0x9c: {  	s13 =	sadd.s32 $0x2800, s9;
	s19 =	sadd.s32 $0x3000, s9;
	s9 =	sadd.s32 $0x3800, s9  }
0x9d: {  	s2 =	sand.u32 $0x78, s7;
	s3 =	sshrl.u32 s3, $0x7;
	s14 =	sshrl.u32 s11, $0x7  }
0x9e: {  	s11 =	sshrl.u32 s15, $0x7;
	s4 =	smul.u32 $0x204, s2;
	s3 =	sand.u32 $0x78, s3  }
0x9f: {  	s18 =	sshrl.u32 s13, $0x7;
	s5 =	sand.u32 $0x78, s14;
	s3 =	smul.u32 $0x204, s3  }
0xa0: {  	s8 =	sshrl.u32 s19, $0x7;
	s11 =	sand.u32 $0x78, s11;
	s5 =	smul.u32 $0x204, s5  }
0xa1: {  	s9 =	sshrl.u32 s9, $0x7;
	s2 =	sxor.u32 $0x40, s2;
	s11 =	smul.u32 $0x204, s11  }
0xa2: {  	s13 =	sadd.s32 $0x10, s7;
	s9 =	sand.u32 $0x78, s9;
	s16 =	smul.u32 $0x204, s2  }
0xa3: {  	v0 =	vmov s10;
	s10 =	sand.u32 $0x3C00, s31;
	s14 =	sadd.s32 $0x20, s7;
	s9 =	smul.u32 $0x204, s9  }
0xa4: {  	s15 =	sand.u32 $0x78, s14;
	s14 =	sadd.s32 $0x60, s7;
	s4 =	sshrl.u32 s4, $0x2  }
0xa5: {  	s14 =	sand.u32 $0x78, s14;
	s4 =	sadd.s32 s4, s30;
	s3 =	sshrl.u32 s3, $0x2  }
0xa6: {  	s5 =	sshrl.u32 s5, $0x2;
	s17 =	sshrl.u32 s11, $0x2;
	s11 =	sand.u32 $0x78, s18  }
0xa7: {  	s9 =	sshrl.u32 s9, $0x2;
	s12 =	sadd.s32 s3, s30;
	s3 =	sadd.s32 s6, s4  }
0xa8: {  	s5 =	sadd.s32 s5, s30;
	s11 =	smul.u32 $0x204, s11;
	s9 =	sadd.s32 s9, s30  }
0xa9: {  	s4 =	sadd.s32 s6, s12;
	s2 =	sadd.s32 s6, s5;
	s12 =	sshrl.u32 s16, $0x2  }
0xaa: {  	s5 =	sadd.s32 s17, s30;
	s16 =	sadd.s32 $0x30, s7;
	s12 =	sadd.s32 s12, s30  }
0xab: {  	s20 =	sadd.s32 s6, s5;
	s11 =	sshrl.u32 s11, $0x2;
	s5 =	sadd.s32 s6, s12  }
0xac: {  	s12 =	sand.u32 $0x78, s8;
	s11 =	sadd.s32 s11, s30;
	s8 =	sadd.s32 $0x50, s7  }
0xad: {  	s12 =	smul.u32 $0x204, s12;
	s18 =	sadd.s32 s6, s11;
	s11 =	sand.u32 $0x78, s13  }
0xae: {  	s7 =	sadd.s32 $0x70, s7;
	s13 =	sand.u32 $0x78, s8;
	s11 =	smul.u32 $0x204, s11  }
0xaf: {  	s7 =	sand.u32 $0x78, s7;
	s13 =	smul.u32 $0x204, s13;
	s12 =	sshrl.u32 s12, $0x2  }
0xb0: {  	s17 =	sadd.s32 s6, s9;
	s7 =	smul.u32 $0x204, s7;
	s12 =	sadd.s32 s12, s30  }
0xb1: {  	s11 =	sshrl.u32 s11, $0x2;
	s19 =	sadd.s32 s6, s12;
	s12 =	smul.u32 $0x204, s15  }
0xb2: {  	s9 =	sadd.s32 s11, s30;
	s11 =	sand.u32 $0x78, s16;
	s16 =	smul.u32 $0x204, s14  }
0xb3: {  	v1 =	vld.idx.msk [tilespmem:v0+s10+$0x0 ss:$0x1], $0xffff;
	s11 =	smul.u32 $0x204, s11  }
0xb4: {  	s13 =	sshrl.u32 s13, $0x2;
	s7 =	sshrl.u32 s7, $0x2;
	s12 =	sshrl.u32 s12, $0x2  }
0xb5: {  	s16 =	sshrl.u32 s16, $0x2;
	s11 =	sshrl.u32 s11, $0x2;
	s12 =	sadd.s32 s12, s30  }
0xb6: {  	s15 =	sadd.s32 s11, s30;
	s11 =	sadd.s32 s6, s9;
	s14 =	sadd.s32 s6, s12  }
0xb7: {  	s9 =	sadd.s32 s13, s30;
	s12 =	sadd.s32 s16, s30;
	s13 =	sadd.s32 $0xFFFFFC00, s31  }
0xb8: {  	[tilespmem:s3+$0x0 ss:$0x81] =	vst.msk $0xffff, v1;
	v1 =	vld.idx.msk [tilespmem:v0+s10+$0x20 ss:$0x1], $0xffff;
	s8 =	sadd.s32 s7, s30;
	s7 =	sadd.s32 s6, s12;
	s12 =	sand.u32 $0x3C00, s13  }
0xb9: {  	v2 =	vld.idx.msk [tilespmem:v0+s12+$0x70 ss:$0x1], $0xffff  }
0xba: {  	v3 =	vld.idx.msk [tilespmem:v0+s12+$0x0 ss:$0x1], $0xffff  }
0xbb: {  	v4 =	vld.idx.msk [tilespmem:v0+s12+$0x10 ss:$0x1], $0xffff  }
0xbc: {  	v5 =	vld.idx.msk [tilespmem:v0+s12+$0x20 ss:$0x1], $0xffff  }
0xbd: {  	v6 =	vld.idx.msk [tilespmem:v0+s12+$0x30 ss:$0x1], $0xffff  }
0xbe: {  	v7 =	vld.idx.msk [tilespmem:v0+s12+$0x40 ss:$0x1], $0xffff;
	[tilespmem:s17+$0x0 ss:$0x81] =	vst.msk $0xffff, v2  }
0xbf: {  	v8 =	vld.idx.msk [tilespmem:v0+s12+$0x50 ss:$0x1], $0xffff;
	[tilespmem:s3+$0x0 ss:$0x81] =	vst.msk $0xffff, v3  }
0xc0: {  	p2 =	sgt.s32 s24, $0x100;
	v9 =	vld.idx.msk [tilespmem:v0+s12+$0x60 ss:$0x1], $0xffff;
	[tilespmem:s4+$0x0 ss:$0x81] =	vst.msk $0xffff, v4  }
.Ltmp9:
0xc1: {  	v4 =	vld.idx.msk [tilespmem:v0+s10+$0x10 ss:$0x1], $0xffff;
	[tilespmem:s2+$0x0 ss:$0x81] =	vst.msk $0xffff, v5;
	(pc) =	sbr.rel @!p2 .LBB1_8-.Ltmp9, $4  }
0xc2: {  	[tilespmem:s20+$0x0 ss:$0x81] =	vst.msk $0xffff, v6;
	v2 =	vld.idx.msk [tilespmem:v0+s10+$0x30 ss:$0x1], $0xffff  }
0xc3: {  	[tilespmem:s5+$0x0 ss:$0x81] =	vst.msk $0xffff, v7;
	v3 =	vld.idx.msk [tilespmem:v0+s10+$0x40 ss:$0x1], $0xffff  }
0xc4: {  	s15 =	sadd.s32 s6, s15;
	s16 =	sadd.s32 s6, s9;
	[tilespmem:s18+$0x0 ss:$0x81] =	vst.msk $0xffff, v8;
	v5 =	vld.idx.msk [tilespmem:v0+s10+$0x50 ss:$0x1], $0xffff  }
0xc5: {  	s9 =	sadd.s32 s6, s8;
	s13 =	simm.s32 $0x100;
	s12 =	sadd.s32 $0x800, s31;
	[tilespmem:s19+$0x0 ss:$0x81] =	vst.msk $0xffff, v9;
	v6 =	vld.idx.msk [tilespmem:v0+s10+$0x60 ss:$0x1], $0xffff  }
.LBB1_7:
0xc6: {  	s8 =	sadd.s32 $0xFFFFFC00, s12;
	s13 =	sadd.s32 $0x100, s13;
	[tilespmem:s11+$0x0 ss:$0x81] =	vst.msk $0xffff, v4;
	v4 =	vld.idx.msk [tilespmem:v0+s10+$0x70 ss:$0x1], $0xffff;
	s10 =	sand.u32 $0x3C00, s12  }
0xc7: {  	s8 =	sand.u32 $0x3C00, s8;
	v7 =	vld.idx.msk [tilespmem:v0+s10+$0x0 ss:$0x1], $0xffff;
	p2 =	slt.s32 s13, s24;
	[tilespmem:s14+$0x0 ss:$0x81] =	vst.msk $0xffff, v1  }
0xc8: {  	v1 =	vld.idx.msk [tilespmem:v0+s8+$0x70 ss:$0x1], $0xffff;
	[tilespmem:s15+$0x0 ss:$0x81] =	vst.msk $0xffff, v2  }
0xc9: {  	v2 =	vld.idx.msk [tilespmem:v0+s8+$0x0 ss:$0x1], $0xffff;
	[tilespmem:s5+$0x0 ss:$0x81] =	vst.msk $0xffff, v3  }
0xca: {  	v3 =	vld.idx.msk [tilespmem:v0+s8+$0x10 ss:$0x1], $0xffff;
	[tilespmem:s16+$0x0 ss:$0x81] =	vst.msk $0xffff, v5  }
0xcb: {  	v5 =	vld.idx.msk [tilespmem:v0+s8+$0x20 ss:$0x1], $0xffff;
	[tilespmem:s7+$0x0 ss:$0x81] =	vst.msk $0xffff, v6  }
0xcc: {  	v6 =	vld.idx.msk [tilespmem:v0+s8+$0x30 ss:$0x1], $0xffff;
	[tilespmem:s9+$0x0 ss:$0x81] =	vst.msk $0xffff, v4  }
0xcd: {  	v8 =	vld.idx.msk [tilespmem:v0+s8+$0x40 ss:$0x1], $0xffff;
	[tilespmem:s3+$0x0 ss:$0x81] =	vst.msk $0xffff, v7  }
0xce: {  	v7 =	vld.idx.msk [tilespmem:v0+s8+$0x50 ss:$0x1], $0xffff;
	[tilespmem:s17+$0x0 ss:$0x81] =	vst.msk $0xffff, v1  }
0xcf: {  	[tilespmem:s3+$0x0 ss:$0x81] =	vst.msk $0xffff, v2;
	v9 =	vld.idx.msk [tilespmem:v0+s8+$0x60 ss:$0x1], $0xffff  }
0xd0: {  	[tilespmem:s4+$0x0 ss:$0x81] =	vst.msk $0xffff, v3;
	v4 =	vld.idx.msk [tilespmem:v0+s10+$0x10 ss:$0x1], $0xffff  }
.Ltmp10:
0xd1: {  	[tilespmem:s2+$0x0 ss:$0x81] =	vst.msk $0xffff, v5;
	v1 =	vld.idx.msk [tilespmem:v0+s10+$0x20 ss:$0x1], $0xffff;
	(pc) =	sbr.rel @p2 .LBB1_7-.Ltmp10, $4  }
0xd2: {  	[tilespmem:s20+$0x0 ss:$0x81] =	vst.msk $0xffff, v6;
	v2 =	vld.idx.msk [tilespmem:v0+s10+$0x30 ss:$0x1], $0xffff  }
0xd3: {  	[tilespmem:s5+$0x0 ss:$0x81] =	vst.msk $0xffff, v8;
	v3 =	vld.idx.msk [tilespmem:v0+s10+$0x40 ss:$0x1], $0xffff  }
0xd4: {  	[tilespmem:s18+$0x0 ss:$0x81] =	vst.msk $0xffff, v7;
	v5 =	vld.idx.msk [tilespmem:v0+s10+$0x50 ss:$0x1], $0xffff  }
0xd5: {  	s12 =	sadd.s32 $0x800, s12;
	[tilespmem:s19+$0x0 ss:$0x81] =	vst.msk $0xffff, v9;
	v6 =	vld.idx.msk [tilespmem:v0+s10+$0x60 ss:$0x1], $0xffff  }
.LBB1_8:
0xd6: {  	_ =	sdelay $0x2  }
0xd7: {  	[tilespmem:s11+$0x0 ss:$0x81] =	vst.msk $0xffff, v4  }
0xd8: {  	v0 =	vld.idx.msk [tilespmem:v0+s10+$0x70 ss:$0x1], $0xffff;
	[tilespmem:s14+$0x0 ss:$0x81] =	vst.msk $0xffff, v1  }
0xd9: {  	[tilespmem:s15+$0x0 ss:$0x81] =	vst.msk $0xffff, v2  }
0xda: {  	[tilespmem:s5+$0x0 ss:$0x81] =	vst.msk $0xffff, v3  }
0xdb: {  	[tilespmem:s16+$0x0 ss:$0x81] =	vst.msk $0xffff, v5  }
0xdc: {  	[tilespmem:s7+$0x0 ss:$0x81] =	vst.msk $0xffff, v6  }
0xdd: {  	[tilespmem:s9+$0x0 ss:$0x81] =	vst.msk $0xffff, v0  }
.LBB1_9:
.Ltmp11:
0xde: {  	(pc) =	sbr.rel @p1 .LBB1_12-.Ltmp11, $1  }
0xdf: {  	_ =	sdelay $0x3  }
0xe0: {  	s3 =	sand.u32 $0x380, s1;
	s2 =	sshrl.u32 s0, $0x4;
	s4 =	sadd.s32 s6, s30  }
0xe1: {  	s5 =	smov.u32 s27;
	s6 =	smov.u32 s24;
	s3 =	sadd.s32 s3, s29  }
.LBB1_11:
0xe2: {  	s7 =	sand.u32 $0x3C00, s5  }
0xe3: {  	s7 =	sadd.s32 s1, s7  }
0xe4: {  	s7 =	sand.u32 $0x3C00, s7  }
0xe5: {  	s8 =	sand.u32 $0x70, s6;
	s19 =	sadd.s32 s6, s2;
	s7 =	sadd.s32 s7, s3  }
0xe6: {  	s6 =	sadd.s32 $0x10, s6;
	s20 =	sand.u32 $0x78, s19;
	s7 =	sadd.s32 s8, s7  }
0xe7: {  	p2 =	slt.s32 s6, s23;
	v0 =	vld [tilespmem:s7+$0x0];
	s7 =	smul.u32 $0x204, s20  }
.Ltmp12:
0xe8: {  	_ = 	snop;
	(pc) =	sbr.rel @p2 .LBB1_11-.Ltmp12, $4  }
0xe9: {  	_ = 	snop  }
0xea: {  	s7 =	sshrl.u32 s7, $0x2  }
0xeb: {  	s7 =	sadd.s32 s7, s4  }
0xec: {  	s5 =	sadd.s32 $0x80, s5;
	[tilespmem:s7+$0x0 ss:$0x81] =	vst.msk $0xffff, v0  }
.Ltmp13:
0xed: {  	_ = 	snop;
	(pc) =	sbr.rel .LBB1_12-.Ltmp13, $1  }
0xee: {  	_ =	sdelay $0x3  }
.LBB1_16:
0xef: {  	_ =	sfence.sel $0x180000  }
0xf0: {  	s0 =	simm.s32 $0x1;
	[bflag:$0x0] =	sbarrier.arrive $0xFFFF  }
0xf1: {  	s30 =	simm.s32 $0x2;
	[sflag:s0] =	ssyncpa.u1 $0x1  }
0xf2: {  	[sflag:s30] =	ssyncpa.u1 $0x1  }
0xf3: {  	_ =	strace $0x9000004A  }
0xf4: {  	s31 =	stileid.u32;
	[bflag:$0x2] =	sbarrier.arrive $0xFFFF  }
0xf5: {  	p0 =	sne.s32 s31, $0x0;
	s0 =	rddreg [dreg:$0x1]  }
0xf6: {  	s0 =	sadd.s32 @!p0 $0x100000, s0  }
0xf7: {  	[sflag:s0] =	ssyncadd.tile.s32 @!p0 $0x1;
	_ =	shalt  }
.Lfunc_end1:
_tile_overlayer_lowered:
.L_overlay_start_2:
0xf8: {  	(tag) =	ssettag $0x2  }
0xf9: {  	s0 =	rddreg [dreg:$0x0];
	s2 =	stileid.u32  }
0xfa: {  	s1 =	rddreg [dreg:$0x1];
	p0 =	sne.s32 s2, $0x0  }
0xfb: {  	s3 =	rddreg [dreg:$0x2];
	[bflag:$0x3] =	sbarrier.arrive $0xFFFF;
	s2 =	simm.s32 @!p0 $0x1C01  }
0xfc: {  	[timem:s3], [sflag:s2] =	dma.local @!p0 [hbm:s0], s1  }
0xfd: {  	s0 =	simm.s32 @!p0 $0x1  }
0xfe: {  	_ =	swait.ge @!p0 [sflag:s0], s1  }
0xff: {  	s1 =	ssub.s32 @!p0 $0x0, s1;
	[sflag:s0] =	ssyncset.done @!p0 $0x0  }
0x100: {  	[sflag:s0] =	ssyncadd.s32 @!p0 s1  }
0x101: {  	[bflag:$0x3] =	sbarrier.arrive $0xFFFF  }
0x102: {  	_ =	shalt  }

// kernel: sparse-core-data-format-call.cloned.1.call-start
scs
called_computation_lowered:
.L_overlay_start_0:
0x0: {  	s2 =	sld [smem:$0x3FD9]  }
0x1: {  	s3 =	sld [smem:$0x3FFE];
	_ =	sdelay $0x1  }
0x2: {  	s1 =	srdreg.scid  }
0x3: {  	s0 =	sand.u32 $0x1, s1  }
0x4: {  	s18 =	sshll.u32 s0, $0xA;
	s2 =	sadd.s32 s3, s2  }
0x5: {  	s2 =	sadd.s32 s2, s18  }
0x6: {  	[smem:$0x3FC7] =	sst s2  }
0x7: {  	_ = 	snop  }
0x8: {  	s2 =	sld [smem:$0x3FD0];
	(tm) =	ssettm $0x1  }
0x9: {  	s19 =	sld [smem:$0x3FFB];
	_ =	sdelay $0x3  }
0xa: {  	_ =	strace s19  }
0xb: {  	s3 =	sld [smem:$0x3FFC];
	_ =	sdelay $0x3  }
0xc: {  	_ =	strace s3  }
0xd: {  	s3 =	sld [smem:$0x3FFD];
	_ =	sdelay $0x3  }
0xe: {  	_ =	strace s3  }
0xf: {  	_ =	strace $0x8FFFFFFF  }
0x10: {  	s20 =	sld [smem:$0x3FDB];
	_ =	sdelay $0x1  }
0x11: {  	s4 =	simm.s32 $_scs_section_size  }
0x12: {  	s5 =	simm.s32 $_size__tile_overlayer_lowered;
	s6 =	simm.s32 $_tile_overlayer_lowered  }
0x13: {  	s23 =	simm.s32 $0x1BFF;
	s22 =	sshll.u32 s6, $0x1;
	s3 =	sadd.s32 s4, s20  }
0x14: {  	s7 =	simm.s32 $0x0;
	s21 =	sshll.u32 s5, $0x1;
	s5 =	sadd.s32 s22, s3  }
0x15: {  	[timem:s7], [sflag:s23] =	dma.local [hbm:s5], s21  }
0x16: {  	_ =	swait.ge [sflag:s23], s21  }
0x17: {  	s4 =	ssub.s32 $0x0, s21;
	[sflag:s23] =	ssyncset.done $0x0  }
0x18: {  	[sflag:s23] =	ssyncadd.s32 s4;
	_ =	sdelay $0x1  }
0x19: {  	s24 =	simm.s32 $0x1B8B  }
0x1a: {  	_ =	swait.ge [sflag:s24], $0x1  }
0x1b: {  	[sflag:s24] =	ssyncset.done $0x0  }
0x1c: {  	s26 =	simm.s32 $0x1B8E;
	s25 =	sld [smem:$0x3FFE];
	[sflag:s24] =	ssyncadd.s32 $0xFFFFFFFF  }
0x1d: {  	s27 =	simm.s32 $execute0_lowered;
	[smem:$0x3FD2] =	sst s26  }
0x1e: {  	s5 =	sshll.u32 s27, $0x1;
	_ =	strace $0x8000004C;
	[dreg:$0x1] =	wrdreg $0xFFFFFFFF  }
0x1f: {  	s28 =	simm.s32 $_size_execute0_lowered;
	s3 =	sadd.s32 s3, s5;
	[dreg:$0x0] =	wrdreg $0x0  }
0x20: {  	s5 =	sshll.u32 s28, $0x1;
	[dreg:$0x2] =	wrdreg s3  }
0x21: {  	[dreg:$0x3] =	wrdreg s5  }
0x22: {  	[dreg:$0x4] =	wrdreg $0xC0  }
0x23: {  	_ =	task [dreg:s7], $0x5FFFF  }
0x24: {  	[dreg:$0x1] =	wrdreg $0xFFFFFFFF  }
0x25: {  	[dreg:$0x0] =	wrdreg $0x60  }
0x26: {  	[dreg:$0x2] =	wrdreg s25  }
0x27: {  	[dreg:$0x3] =	wrdreg s2  }
0x28: {  	[dreg:$0x4] =	wrdreg $0x9  }
0x29: {  	_ =	task.clear_ibuf [dreg:s7], $0x5FFFF;
	_ =	strace $0x9000004C  }
0x2a: {  	s29 =	simm.s32 $0x9;
	_ =	strace $0x8000004E  }
0x2b: {  	_ =	swait.ge [sflag:s29], $0x1  }
0x2c: {  	[sflag:s29] =	ssyncadd.s32 $0xFFFFFFFF  }
0x2d: {  	_ =	strace $0x9000004E  }
0x2e: {  	_ =	sfence  }
0x2f: {  	s30 =	sld [smem:$0x0];
	_ =	sdelay $0x2  }
0x30: {  	s31 =	sshll.u32 s1, $0xD;
	s1 =	sshrl.u32 s1, $0x2  }
0x31: {  	s3 =	sand.u32 $0x4000, s31;
	s1 =	sadd.s32 s1, s30  }
0x32: {  	s0 =	sor.u32 s3, s0;
	s1 =	sshll.u32 s1, $0x11  }
0x33: {  	s0 =	sor.u32 s1, s0  }
0x34: {  	s0 =	sadd.s32 $0x8F2B, s0  }
0x35: {  	[sflag:s0] =	ssyncadd.remote.s32 $0x1  }
0x36: {  	_ =	sfence.sel $0xFFFF  }
0x37: {  	[dreg:$0x0] =	wrdreg $0xFFFFFFFF;
	(pc) =	sbr.abs _section_cstart, $3  }
0x38: {  	[dreg:$0x1] =	wrdreg $0xFFFFFFFF  }
0x39: {  	_ =	task.clear_ibuf [dreg:s7], $0x2FFFF;
	_ =	strace $0x9FFFFFFF  }
0x3a: {  	(tm) =	ssettm $0x7FFFFFFF  }
0x3b: {  	_ =	shalt  }
tec
execute0_lowered:
.L_overlay_start_1:
0x0: {  	(tag) =	ssettag $0x1  }
0x1: {  	s4 =	rddreg [dreg:$0x0]  }
0x2: {  	s2 =	rddreg [dreg:$0x1];
	s1 =	stileid.u32  }
0x3: {  	s3 =	srdreg.scid;
	s0 =	rddreg [dreg:$0x2];
	_ =	strace $0x8000004D  }
0x4: {  	s10 =	simm.s32 $0x2;
	s14 =	simm.s32 $0x0;
	s16 =	simm.s32 $0x0  }
0x5: {  	s12 =	simm.s32 $0x0;
	s15 =	simm.s32 $0x0;
	s3 =	sshll.u32 s3, $0x4  }
0x6: {  	s5 =	sshll.u32 s1, $0x7;
	s4 =	sadd.s32 $0x659C00, s4;
	s6 =	sand.u32 $0x10, s3  }
0x7: {  	s3 =	sand.u32 $0x180, s5;
	s5 =	simm.s32 $0x1;
	s8 =	sor.u32 s1, s6  }
0x8: {  	s31 =	ssub.s32 $0xC800, s3;
	[sflag:s5] =	ssyncpa.u1 $0x0;
	s13 =	smov.u32 s3  }
.Ltmp0:
0x9: {  	s7 =	sshll.u32 s8, $0x5;
	s9 =	sand.u32 $0x180, s31;
	(pc) =	sbr.rel .LBB1_1-.Ltmp0, $4  }
0xa: {  	s11 =	sshrl.u32 s31, $0x9;
	p0 =	sne.s32 s9, $0x0;
	s9 =	simm.s32 $0x1  }
0xb: {  	[sflag:s10] =	ssyncpa.u1 $0x0;
	s8 =	sshll.u32 s8, $0x8;
	s9 =	simm.s32 @!p0 $0x0  }
0xc: {  	s10 =	simm.s32 $0x64000;
	s6 =	sand.u32 $0x380, s7;
	s7 =	sadd.s32 s9, s11  }
0xd: {  	p0 =	por $0x0, $0x0;
	s11 =	simm.s32 $0x0;
	s9 =	sadd.s32 $0x1, s7  }
.LBB1_4:
0xe: {  	s22 =	sshrl.u32 s11, $0x3  }
0xf: {  	s23 =	sshll.u32 s12, $0x3;
	s24 =	sand.u32 $0x7F, s12;
	s22 =	smul.u32 $0x64000, s22  }
0x10: {  	v5 =	vld [tilespmem:s18+$0xFFFFFFD0];
	s21 =	sshra.s32 s21, $0x2;
	s25 =	sshra.s32 s12, $0x1F;
	s23 =	sand.u32 $0xFFFFFC00, s23  }
0x11: {  	[tilespmem:s20+$0x2040 ss:$0x81] =	vst.msk $0xffff, v4;
	v58 =	vld [tilespmem:s18+$0xFFFFFFE0];
	p1 =	sgt.s32 s12, $0xC780;
	s25 =	sand.u32 s25, s12;
	s22 =	sadd.s32 s23, s22  }
0x12: {  	[tilespmem:s20+$0x2850 ss:$0x81] =	vst.msk $0xffff, v3;
	v59 =	vld [tilespmem:s18+$0xFFFFFFF0];
	s23 =	sor.u32 s24, s22;
	s22 =	smulhi.u32 $0x51EB851F, s22;
	s24 =	smov.u32 s12  }
0x13: {  	[tilespmem:s20+$0x3060 ss:$0x81] =	vst.msk $0xffff, v2;
	v60 =	vld [tilespmem:s18+$0x0];
	s19 =	sadd.s32 s21, s19;
	s26 =	smulhi.u32 $0x51EB851F, s23;
	s24 =	simm.s32 @!p1 $0xC780  }
0x14: {  	[tilespmem:s20+$0x0 ss:$0x81] =	vst.msk $0xffff, v0;
	v61 =	vld [tilespmem:s18+$0x10];
	p1 =	sgt.s32 s11, $0x368;
	s28 =	sshrl.u32 s22, $0xE;
	s29 =	ssub.s32 s24, s25  }
0x15: {  	[tilespmem:s19+$0x3870 ss:$0x81] =	vst.msk $0xffff, v1;
	s30 =	sshrl.u32 s26, $0xE;
	s31 =	smulhi.u32 $0x418938, s28;
	s25 =	sadd.s32 $0xFFFF3880, s29  }
0x16: {  	v62 =	vld [tilespmem:s18+$0x20];
	[tilespmem:s19+$0x810 ss:$0x81] =	vst.msk $0xffff, v5;
	s22 =	smul.u32 $0xC800, s30;
	p2 =	sgt.s32 s25, $0x7F;
	s25 =	smov.u32 s11  }
0x17: {  	v63 =	vld [tilespmem:s18+$0xFFFFFFC0];
	[tilespmem:s19+$0x1020 ss:$0x81] =	vst.msk $0xffff, v58;
	s21 =	ssub.s32 $0xC800, s29;
	s25 =	simm.s32 @!p1 $0x368;
	s26 =	smul.u32 $0x3E8, s31  }
0x18: {  	[tilespmem:s19+$0x1830 ss:$0x81] =	vst.msk $0xffff, v59;
	s21 =	simm.s32 @p2 $0x0;
	s27 =	ssub.s32 $0x3E8, s25  }
0x19: {  	[tilespmem:s19+$0x2040 ss:$0x81] =	vst.msk $0xffff, v60;
	s22 =	ssub.s32 s23, s22;
	s18 =	ssub.s32 s28, s26;
	s28 =	smul.u32 s27, s21  }
0x1a: {  	[tilespmem:s19+$0x2850 ss:$0x81] =	vst.msk $0xffff, v61;
	s29 =	sshrl.u32 s22, $0x3;
	s22 =	sand.u32 $0x7, s22;
	s18 =	smul.u32 $0x1900, s18  }
0x1b: {  	[tilespmem:s19+$0x3060 ss:$0x81] =	vst.msk $0xffff, v62;
	s21 =	sadd.s32 s2, s29;
	s22 =	sshll.u32 s22, $0x12  }
0x1c: {  	[tilespmem:s19+$0x0 ss:$0x81] =	vst.msk $0xffff, v63;
	s30 =	sand.u32 $0x3FFFFFF8, s28;
	s31 =	sor.u32 $0x400, s22;
	s18 =	sadd.s32 s18, s21  }
0x1d: {  	[hbm4b:s18+s31] =	stream.strided.scatter [tilespmem:s17], [sflag:$0x2], s30, s10, s31, $0x20;
	[tilespmem:$0x10100] =	vst v63  }
.LBB1_5:
0x1e: {  	p1 =	slt.u32 s15, $0x2  }
0x1f: {  	p2 =	sgt.s32 @!p1 s16, $0xC780  }
0x20: {  	s17 =	smov.u32 s16;
	s18 =	sshra.s32 @!p1 s16, $0x1F;
	p2 =	por !p2, p1  }
0x21: {  	s16 =	sand.u32 @!p1 s18, s16;
	s17 =	simm.s32 @p2 $0xC780  }
0x22: {  	s16 =	ssub.s32 @!p1 s17, s16  }
0x23: {  	p2 =	sgt.s32 @!p1 s14, $0x368;
	s17 =	sadd.s32 @!p1 $0xFFFF3880, s16  }
0x24: {  	s18 =	sadd.s32 $0x200, s13;
	p2 =	por !p2, p1;
	p3 =	sgt.s32 @!p1 s17, $0x7F  }
0x25: {  	s14 =	simm.s32 @p2 $0x368;
	s16 =	ssub.s32 @!p1 $0xC800, s16;
	p2 =	por !p3, p1  }
0x26: {  	s14 =	ssub.s32 @!p1 $0x3E8, s14;
	s16 =	simm.s32 @!p2 $0x0;
	p2 =	sgt.s32 s18, $0xC7FF  }
0x27: {  	s14 =	smul.u32 @!p1 s14, s16;
	s18 =	smov.u32 @p2 s3;
	p2 =	sne.s32 s15, s9  }
.Ltmp1:
0x28: {  	s20 =	sadd.s32 $0x1, s15;
	p0 =	por !p0, !p0;
	(pc) =	sbr.rel @!p2 .LBB1_6-.Ltmp1, $4  }
0x29: {  	s17 =	simm.s32 @!p1 $0x2;
	s16 =	smov.u32 s12;
	s14 =	sand.u32 @!p1 $0x3FFFFFFF, s14  }
0x2a: {  	s12 =	smov.u32 s13;
	s15 =	smov.u32 s20;
	_ =	swait.ge @!p1 [sflag:s17], s14  }
0x2b: {  	s13 =	smov.u32 s18;
	s19 =	ssub.s32 @!p1 $0x0, s14;
	[sflag:s17] =	ssyncset.done @!p1 $0x0  }
0x2c: {  	s14 =	smov.u32 s11;
	s11 =	smov.u32 s6;
	[sflag:s17] =	ssyncadd.s32 @!p1 s19  }
.LBB1_1:
0x2d: {  	p1 =	sge.u32 s15, s7  }
0x2e: {  	s17 =	sshll.u32 @!p1 s13, $0xA  }
0x2f: {  	s17 =	sand.u32 @!p1 $0xFFFFE000, s17  }
0x30: {  	s17 =	sor.u32 @!p1 s8, s17  }
0x31: {  	s17 =	sshrl.u32 @!p1 s17, $0xA  }
0x32: {  	s18 =	smulhi.u32 @!p1 $0x28F5C3, s17;
	_ =	sdelay $0x1  }
0x33: {  	s18 =	sshrl.u32 @!p1 s18, $0x5  }
0x34: {  	s18 =	smul.u32 @!p1 $0xC800, s18  }
0x35: {  	s31 =	sadd.s32 $0xFFFFFFFF, s15;
	s19 =	sxor.u32 @!p1 $0xFFFFFFFF, s15;
	s20 =	sshll.u32 @!p1 s13, $0x4  }
0x36: {  	s19 =	sshll.u32 @!p1 s19, $0xE;
	s17 =	ssub.s32 @!p1 s17, s18;
	s18 =	sand.u32 @!p1 $0x70, s20  }
0x37: {  	s19 =	sand.u32 @!p1 $0x4000, s19;
	s17 =	sshll.u32 @!p1 s17, $0x7;
	s18 =	sadd.s32 @!p1 s4, s18  }
0x38: {  	s20 =	simm.s32 @!p1 $0x2000;
	s17 =	sadd.s32 @!p1 s17, s18;
	s18 =	simm.s32 @!p1 $0x400  }
0x39: {  	[tilespmem:s19], [sflag:$0x1] =	stream.strided.gather @!p1 [hbm4b:s17+s18], $0x4000, s20, s18, $0x38;
	[tilespmem:$0x10100] =	vst v63  }
0x3a: {  	p1 =	sge.u32 s31, s7  }
.Ltmp2:
0x3b: {  	_ = 	snop;
	(pc) =	sbr.rel @p1 .LBB1_5-.Ltmp2, $1  }
0x3c: {  	_ =	sdelay $0x3  }
0x3d: {  	s17 =	simm.s32 $0x1  }
0x3e: {  	_ =	swait.ge [sflag:s5], $0x4000;
	s17 =	simm.s32 @!p0 $0x0  }
0x3f: {  	[sflag:s5] =	ssyncset.done $0x0;
	s18 =	sshll.u32 s17, $0xE  }
0x40: {  	[sflag:s5] =	ssyncadd.s32 $0xFFFFC000;
	s18 =	sor.u32 $0x40, s18  }
0x41: {  	s17 =	smul.u32 $0x10200, s17;
	v0 =	vld [tilespmem:s18+$0x30]  }
0x42: {  	v1 =	vld [tilespmem:s18+$0xFFFFFFD0]  }
0x43: {  	s17 =	sshrl.u32 s17, $0x2;
	v5 =	vld [tilespmem:s18+$0xFFFFFFE0]  }
0x44: {  	v6 =	vld [tilespmem:s18+$0xFFFFFFF0];
	s19 =	sor.u32 $0x8000, s17  }
0x45: {  	s31 =	sand.u32 $0x1, s15;
	v4 =	vld [tilespmem:s18+$0x0];
	s20 =	sadd.s32 $0x0, s19  }
0x46: {  	v3 =	vld [tilespmem:s18+$0x10];
	s17 =	smul.u32 $0x10200, s31;
	[tilespmem:s20+$0x3870 ss:$0x81] =	vst.msk $0xffff, v0  }
0x47: {  	v2 =	vld [tilespmem:s18+$0x20];
	[tilespmem:s20+$0x810 ss:$0x81] =	vst.msk $0xffff, v1  }
0x48: {  	s17 =	sshrl.u32 s17, $0x2;
	v0 =	vld [tilespmem:s18+$0xFFFFFFC0];
	[tilespmem:s20+$0x1020 ss:$0x81] =	vst.msk $0xffff, v5;
	s18 =	sadd.s32 $0x80, s18  }
0x49: {  	s21 =	simm.s32 $0x4;
	s22 =	simm.s32 $0x8;
	s17 =	sor.u32 $0x8000, s17;
	[tilespmem:s20+$0x1830 ss:$0x81] =	vst.msk $0xffff, v6;
	v1 =	vld [tilespmem:s18+$0x30]  }
.LBB1_3:
0x4a: {  	p1 =	sne.s32 s22, $0x1FC;
	v5 =	vld [tilespmem:s18+$0xFFFFFFD0];
	[tilespmem:s20+$0x2040 ss:$0x81] =	vst.msk $0xffff, v4  }
0x4b: {  	v6 =	vld [tilespmem:s18+$0xFFFFFFE0];
	[tilespmem:s20+$0x2850 ss:$0x81] =	vst.msk $0xffff, v3  }
0x4c: {  	s23 =	sshra.s32 s21, $0x2;
	s21 =	smov.u32 s22;
	v7 =	vld [tilespmem:s18+$0xFFFFFFF0];
	[tilespmem:s20+$0x3060 ss:$0x81] =	vst.msk $0xffff, v2  }
.Ltmp3:
0x4d: {  	v4 =	vld [tilespmem:s18+$0x0];
	[tilespmem:s20+$0x0 ss:$0x81] =	vst.msk $0xffff, v0;
	s20 =	sadd.s32 s23, s19;
	(pc) =	sbr.rel @p1 .LBB1_3-.Ltmp3, $4  }
0x4e: {  	v3 =	vld [tilespmem:s18+$0x10];
	[tilespmem:s20+$0x3870 ss:$0x81] =	vst.msk $0xffff, v1  }
0x4f: {  	[tilespmem:s20+$0x810 ss:$0x81] =	vst.msk $0xffff, v5;
	v2 =	vld [tilespmem:s18+$0x20]  }
0x50: {  	v0 =	vld [tilespmem:s18+$0xFFFFFFC0];
	[tilespmem:s20+$0x1020 ss:$0x81] =	vst.msk $0xffff, v6;
	s18 =	sadd.s32 $0x80, s18  }
0x51: {  	s22 =	sadd.s32 $0x4, s22;
	v1 =	vld [tilespmem:s18+$0x30];
	[tilespmem:s20+$0x1830 ss:$0x81] =	vst.msk $0xffff, v7  }
.Ltmp4:
0x52: {  	_ = 	snop;
	(pc) =	sbr.rel .LBB1_4-.Ltmp4, $1  }
0x53: {  	_ =	sdelay $0x3  }
.LBB1_6:
0x54: {  	_ =	sfence.sel $0x180000  }
0x55: {  	s2 =	simm.s32 $0x1;
	[bflag:$0x0] =	sbarrier.arrive $0xFFFF  }
0x56: {  	s31 =	simm.s32 $0x2;
	[sflag:s2] =	ssyncpa.u1 $0x1  }
0x57: {  	[sflag:s31] =	ssyncpa.u1 $0x1  }
0x58: {  	p0 =	sne.s32 s1, $0x0;
	_ =	strace $0x9000004D  }
0x59: {  	s0 =	sadd.s32 @!p0 $0x100000, s0;
	[bflag:$0x2] =	sbarrier.arrive $0xFFFF  }
0x5a: {  	[sflag:s0] =	ssyncadd.tile.s32 @!p0 $0x1;
	_ =	shalt  }
.Lfunc_end1:
_tile_overlayer_lowered:
.L_overlay_start_2:
0x5b: {  	(tag) =	ssettag $0x2  }
0x5c: {  	s0 =	rddreg [dreg:$0x0];
	s2 =	stileid.u32  }
0x5d: {  	s1 =	rddreg [dreg:$0x1];
	p0 =	sne.s32 s2, $0x0  }
0x5e: {  	s3 =	rddreg [dreg:$0x2];
	[bflag:$0x3] =	sbarrier.arrive $0xFFFF;
	s2 =	simm.s32 @!p0 $0x1C01  }
0x5f: {  	[timem:s3], [sflag:s2] =	dma.local @!p0 [hbm:s0], s1  }
0x60: {  	s0 =	simm.s32 @!p0 $0x1  }
0x61: {  	_ =	swait.ge @!p0 [sflag:s0], s1  }
0x62: {  	s1 =	ssub.s32 @!p0 $0x0, s1;
	[sflag:s0] =	ssyncset.done @!p0 $0x0  }
0x63: {  	[sflag:s0] =	ssyncadd.s32 @!p0 s1  }
0x64: {  	[bflag:$0x3] =	sbarrier.arrive $0xFFFF  }
0x65: {  	_ =	shalt  }

</sc_bundles>
